<compile_context>
chip_gen: v7x
topology: tpu7x:2x2x1
jax: 0.10.2.dev20260603
libtpu: 0.0.44.dev20260713+nightly
codegen_flags: <defaults>
</compile_context>

<pallas_src>
import functools

import jax
import jax.numpy as jnp
from jax import lax
from jax.experimental import pallas as pl
from jax.experimental.pallas import tpu as pltpu
from jax.experimental.pallas import tpu_sc as plsc

N_NODES = 10000
EMB = 128
N_EDGES = 320000

NC = 2
NS = 16
LANES = 16

E_PAD = 327680
CHUNK = 128
NBUF = 2
EDGES_PER_TILE = E_PAD // NS
N_CHUNKS = EDGES_PER_TILE // CHUNK
ACC_ROWS = 10240
ZROWS_PER_TILE = ACC_ROWS // NS
DUMP_BASE = N_NODES



def _lrelu(v):
    return jnp.where(v >= 0, v, 0.01 * v)



CH_ROWS = E_PAD // CHUNK
CH_PER_TILE = CH_ROWS // NS
IDX_BLK = 16
N_BLKS = CH_PER_TILE // IDX_BLK


def _sc_agg_body(x_hbm, src2_hbm, sidx2_hbm, agg_out,
                 acc, srcs, sidxs, r0, r1, zrow,
                 sg0, sg1, ss0, ss1):
    rows = (r0, r1)
    semg = (sg0, sg1)
    sems = (ss0, ss1)
    rel = lax.axis_index("c")
    tid = lax.axis_index("s")

    z16 = jnp.zeros((LANES,), jnp.float32)
    for r in range(16):
        for c in range(EMB // LANES):
            zrow[r, pl.ds(LANES * c, LANES)] = z16

    def _z(k, carry):
        pltpu.sync_copy(zrow, acc.at[pl.ds(tid * ZROWS_PER_TILE + k * 16, 16)])
        return carry
    lax.fori_loop(0, ZROWS_PER_TILE // 16, _z, 0)
    plsc.subcore_barrier()

    H = CHUNK // 2

    def _gath(i, buf, sem):
        pltpu.async_copy(x_hbm.at[srcs.at[i, pl.ds(0, H)]],
                         buf.at[pl.ds(0, H)], sem)
        pltpu.async_copy(x_hbm.at[srcs.at[i, pl.ds(H, H)]],
                         buf.at[pl.ds(H, H)], sem)

    def _wait2(buf, sem):
        pltpu.make_async_copy(x_hbm.at[srcs.at[0, pl.ds(0, H)]],
                              buf.at[pl.ds(0, H)], sem).wait()
        pltpu.make_async_copy(x_hbm.at[srcs.at[0, pl.ds(0, H)]],
                              buf.at[pl.ds(H, H)], sem).wait()

    def _blk(b, carry):
        pltpu.sync_copy(
            src2_hbm.at[pl.ds(tid * CH_PER_TILE + b * IDX_BLK, IDX_BLK)], srcs)
        pltpu.sync_copy(
            sidx2_hbm.at[pl.ds(rel * CH_ROWS + tid * CH_PER_TILE + b * IDX_BLK,
                               IDX_BLK)], sidxs)
        _gath(0, rows[0], semg[0])

        def _pair(g, c2):
            i0 = 2 * g
            _wait2(rows[0], semg[0])
            _gath(i0 + 1, rows[1], semg[1])
            pltpu.sync_copy(rows[0], acc.at[sidxs.at[i0]], add=True)
            nxt = jnp.where(i0 + 2 < IDX_BLK, i0 + 2, 0)
            _wait2(rows[1], semg[1])
            _gath(nxt, rows[0], semg[0])
            pltpu.sync_copy(rows[1], acc.at[sidxs.at[i0 + 1]], add=True)
            return c2
        lax.fori_loop(0, IDX_BLK // 2, _pair, 0)
        _wait2(rows[0], semg[0])
        return carry
    lax.fori_loop(0, N_BLKS, _blk, 0)
    plsc.subcore_barrier()

    obase = tid * ZROWS_PER_TILE

    def _o(k, carry):
        pltpu.sync_copy(acc.at[pl.ds(obase + k * CHUNK, CHUNK)], r0)
        pltpu.sync_copy(r0, agg_out.at[rel].at[pl.ds(obase + k * CHUNK, CHUNK)])
        return carry
    lax.fori_loop(0, ZROWS_PER_TILE // CHUNK, _o, 0)


@jax.jit
def _sc_agg(x, src2, sidx2):
    f = pl.kernel(
        _sc_agg_body,
        out_type=[jax.ShapeDtypeStruct((NC, ACC_ROWS, EMB), jnp.float32)],
        mesh=plsc.VectorSubcoreMesh(core_axis_name="c", subcore_axis_name="s"),
        scratch_types=[
            pltpu.VMEM_SHARED((ACC_ROWS, EMB), jnp.float32),
            pltpu.VMEM((IDX_BLK, CHUNK), jnp.int32),
            pltpu.VMEM((IDX_BLK, CHUNK), jnp.int32),
            pltpu.VMEM((CHUNK, EMB), jnp.float32),
            pltpu.VMEM((CHUNK, EMB), jnp.float32),
            pltpu.VMEM((16, EMB), jnp.float32),
            pltpu.SemaphoreType.DMA,
            pltpu.SemaphoreType.DMA,
            pltpu.SemaphoreType.DMA,
            pltpu.SemaphoreType.DMA,
        ],
    )
    return f(x, src2, sidx2)[0]



def _sc_cnt_body(ones_hbm, sidx2_hbm, cnt_out, acc, sidxs, ones_v, zrow, sem):
    rel = lax.axis_index("c")
    tid = lax.axis_index("s")

    z16 = jnp.zeros((LANES,), jnp.float32)
    for r in range(16):
        for c in range(EMB // LANES):
            zrow[r, pl.ds(LANES * c, LANES)] = z16
    pltpu.sync_copy(ones_hbm, ones_v)

    def _z(k, carry):
        pltpu.sync_copy(zrow, acc.at[pl.ds(tid * ZROWS_PER_TILE + k * 16, 16)])
        return carry
    lax.fori_loop(0, ZROWS_PER_TILE // 16, _z, 0)
    plsc.subcore_barrier()

    def _blk(b, carry):
        pltpu.sync_copy(
            sidx2_hbm.at[pl.ds(rel * CH_ROWS + tid * CH_PER_TILE + b * IDX_BLK,
                               IDX_BLK)], sidxs)

        def _chunk(i, c2):
            pltpu.sync_copy(ones_v, acc.at[sidxs.at[i]], add=True)
            return c2
        lax.fori_loop(0, IDX_BLK, _chunk, 0)
        return carry
    lax.fori_loop(0, N_BLKS, _blk, 0)
    plsc.subcore_barrier()

    obase = tid * ZROWS_PER_TILE

    def _o(k, carry):
        pltpu.sync_copy(acc.at[pl.ds(obase + k * CHUNK, CHUNK)], ones_v)
        pltpu.sync_copy(ones_v, cnt_out.at[rel].at[pl.ds(obase + k * CHUNK, CHUNK)])
        return carry
    lax.fori_loop(0, ZROWS_PER_TILE // CHUNK, _o, 0)


@jax.jit
def _sc_cnt(ones_rows, sidx):
    f = pl.kernel(
        _sc_cnt_body,
        out_type=[jax.ShapeDtypeStruct((NC, ACC_ROWS, EMB), jnp.float32)],
        mesh=plsc.VectorSubcoreMesh(core_axis_name="c", subcore_axis_name="s"),
        scratch_types=[
            pltpu.VMEM_SHARED((ACC_ROWS, EMB), jnp.float32),
            pltpu.VMEM((IDX_BLK, CHUNK), jnp.int32),
            pltpu.VMEM((CHUNK, EMB), jnp.float32),
            pltpu.VMEM((16, EMB), jnp.float32),
            pltpu.SemaphoreType.DMA,
        ],
    )
    return f(ones_rows, sidx)[0]



N_PAD = ACC_ROWS
_BLK = 1280
_GRID = N_PAD // _BLK


def _enc_body(x_ref, wbd_ref, bbd_ref, win_ref, bin_ref, o_ref):
    h = _lrelu(jnp.dot(x_ref[...], wbd_ref[...],
                       preferred_element_type=jnp.float32) + bbd_ref[...])
    o_ref[...] = _lrelu(jnp.dot(h, win_ref[...],
                                preferred_element_type=jnp.float32) + bin_ref[...])


def _encoder(xcat, wbd, bbd, w_in, b_in):
    d_in = xcat.shape[1]
    return pl.pallas_call(
        _enc_body,
        grid=(_GRID,),
        in_specs=[
            pl.BlockSpec((_BLK, d_in), lambda i: (i, 0)),
            pl.BlockSpec((d_in, EMB), lambda i: (0, 0)),
            pl.BlockSpec((1, EMB), lambda i: (0, 0)),
            pl.BlockSpec((EMB, EMB), lambda i: (0, 0)),
            pl.BlockSpec((1, EMB), lambda i: (0, 0)),
        ],
        out_specs=pl.BlockSpec((_BLK, EMB), lambda i: (i, 0)),
        out_shape=jax.ShapeDtypeStruct((N_PAD, EMB), jnp.float32),
    )(xcat, wbd, bbd, w_in, b_in)


def _combine_core(x_ref, a0_ref, a1_ref, c0_ref, c1_ref,
                  wroot_ref, w0_ref, w1_ref, b_ref):
    out = jnp.dot(x_ref[...], wroot_ref[...],
                  preferred_element_type=jnp.float32) + b_ref[...]
    c0 = c0_ref[...][:, 0:1]
    c1 = c1_ref[...][:, 0:1]
    out = out + jnp.dot(a0_ref[...], w0_ref[...],
                        preferred_element_type=jnp.float32) / jnp.maximum(c0, 1.0)
    out = out + jnp.dot(a1_ref[...], w1_ref[...],
                        preferred_element_type=jnp.float32) / jnp.maximum(c1, 1.0)
    return out


def _comb_body(x_ref, a0_ref, a1_ref, c0_ref, c1_ref,
               wroot_ref, w0_ref, w1_ref, b_ref, o_ref):
    o_ref[...] = _combine_core(x_ref, a0_ref, a1_ref, c0_ref, c1_ref,
                               wroot_ref, w0_ref, w1_ref, b_ref)


def _comb_head_body(x_ref, a0_ref, a1_ref, c0_ref, c1_ref,
                    wroot_ref, w0_ref, w1_ref, b_ref,
                    wo1_ref, bo1_ref, wo2_ref, bo2_ref, o_ref):
    out = _combine_core(x_ref, a0_ref, a1_ref, c0_ref, c1_ref,
                        wroot_ref, w0_ref, w1_ref, b_ref)
    y = _lrelu(jnp.dot(out, wo1_ref[...],
                       preferred_element_type=jnp.float32) + bo1_ref[...])
    o_ref[...] = jnp.dot(y, wo2_ref[...],
                         preferred_element_type=jnp.float32) + bo2_ref[...]


def _x_specs():
    return [
        pl.BlockSpec((_BLK, EMB), lambda i: (i, 0)),
        pl.BlockSpec((_BLK, EMB), lambda i: (i, 0)),
        pl.BlockSpec((_BLK, EMB), lambda i: (i, 0)),
        pl.BlockSpec((_BLK, EMB), lambda i: (i, 0)),
        pl.BlockSpec((_BLK, EMB), lambda i: (i, 0)),
        pl.BlockSpec((EMB, EMB), lambda i: (0, 0)),
        pl.BlockSpec((EMB, EMB), lambda i: (0, 0)),
        pl.BlockSpec((EMB, EMB), lambda i: (0, 0)),
        pl.BlockSpec((1, EMB), lambda i: (0, 0)),
    ]


def _combine(x, a0, a1, c0, c1, wroot, w0, w1, b):
    return pl.pallas_call(
        _comb_body,
        grid=(_GRID,),
        in_specs=_x_specs(),
        out_specs=pl.BlockSpec((_BLK, EMB), lambda i: (i, 0)),
        out_shape=jax.ShapeDtypeStruct((N_PAD, EMB), jnp.float32),
    )(x, a0, a1, c0, c1, wroot, w0, w1, b)


def _combine_head(x, a0, a1, c0, c1, wroot, w0, w1, b,
                  wo1, bo1, wo2, bo2):
    return pl.pallas_call(
        _comb_head_body,
        grid=(_GRID,),
        in_specs=_x_specs() + [
            pl.BlockSpec((EMB, EMB), lambda i: (0, 0)),
            pl.BlockSpec((1, EMB), lambda i: (0, 0)),
            pl.BlockSpec((EMB, EMB), lambda i: (0, 0)),
            pl.BlockSpec((1, EMB), lambda i: (0, 0)),
        ],
        out_specs=pl.BlockSpec((_BLK, EMB), lambda i: (i, 0)),
        out_shape=jax.ShapeDtypeStruct((N_PAD, EMB), jnp.float32),
    )(x, a0, a1, c0, c1, wroot, w0, w1, b, wo1, bo1, wo2, bo2)



def kernel(des, tweet, num_prop, cat_prop, edge_index, edge_type,
           W_des, b_des, W_tweet, b_tweet, W_num, b_num, W_cat, b_cat,
           W_in, b_in, W_rel, W_root, b_rgcn, W_out1, b_out1, W_out2, b_out2):
    src = edge_index[0].astype(jnp.int32)
    dst = edge_index[1].astype(jnp.int32)
    et = edge_type.astype(jnp.int32)

    src = jnp.pad(src, (0, E_PAD - N_EDGES))
    dst = jnp.pad(dst, (0, E_PAD - N_EDGES))
    et = jnp.pad(et, (0, E_PAD - N_EDGES), constant_values=2)
    eid = jnp.arange(E_PAD, dtype=jnp.int32)
    dump = DUMP_BASE + (eid & 15)
    sidx = jnp.concatenate([jnp.where(et == 0, dst, dump),
                            jnp.where(et == 1, dst, dump)])
    ones_rows = jnp.ones((CHUNK, EMB), jnp.float32)
    sidx = sidx.reshape(NC * CH_ROWS, CHUNK)
    src2 = src.reshape(CH_ROWS, CHUNK)

    xcat = jnp.concatenate([des, tweet, num_prop, cat_prop], axis=1)
    xcat = jnp.pad(xcat, ((0, N_PAD - N_NODES), (0, 0)))
    d_in = xcat.shape[1]
    q = EMB // 4
    wbd = jnp.zeros((d_in, EMB), jnp.float32)
    o = 0
    for w, col in ((W_des, 0), (W_tweet, 1), (W_num, 2), (W_cat, 3)):
        wbd = wbd.at[o:o + w.shape[0], col * q:(col + 1) * q].set(w)
        o += w.shape[0]
    bbd = jnp.concatenate([b_des, b_tweet, b_num, b_cat]).reshape(1, EMB)

    x = _encoder(xcat, wbd, bbd, W_in, b_in.reshape(1, EMB))

    cnt = _sc_cnt(ones_rows, sidx)
    w0, w1 = W_rel[0], W_rel[1]
    b = b_rgcn.reshape(1, EMB)

    agg = _sc_agg(x, src2, sidx)
    x = _combine(x, agg[0], agg[1], cnt[0], cnt[1], W_root, w0, w1, b)

    agg = _sc_agg(x, src2, sidx)
    wo2 = jnp.zeros((EMB, EMB), jnp.float32).at[:, :2].set(W_out2)
    bo2 = jnp.zeros((1, EMB), jnp.float32).at[0, :2].set(b_out2)
    out = _combine_head(x, agg[0], agg[1], cnt[0], cnt[1], W_root, w0, w1, b,
                        W_out1, b_out1.reshape(1, EMB), wo2, bo2)
    return out[:N_NODES, :2]

# --- scband reference (transcript-rebuilt; emitter-appended) ---
"""Pipeline reference for scband-bot-rgcn-5531917877296 (READ-ONLY COPY).

The authoritative reference and input builder live on the scoring server;
editing this copy changes nothing except your own understanding.
"""

import jax, jax.numpy as jnp
import numpy as np

N_NODES = 10000
N_EDGES = 320000
EMB = 128
Q = EMB // 4


def _glorot(key, shape):
    fan_in, fan_out = shape[-2], shape[-1]
    lim = np.sqrt(6.0 / (fan_in + fan_out))
    return jax.random.uniform(key, shape, jnp.float32, -lim, lim)


def setup_inputs(seed: int = 0) -> dict:
    key = jax.random.key(seed)
    ks = jax.random.split(key, 24)
    inp = {}
    inp['des'] = jax.random.normal(ks[0], (N_NODES, 100), jnp.float32)
    inp['tweet'] = jax.random.normal(ks[1], (N_NODES, 100), jnp.float32)
    inp['num_prop'] = jax.random.normal(ks[2], (N_NODES, 6), jnp.float32)
    inp['cat_prop'] = jax.random.normal(ks[3], (N_NODES, 11), jnp.float32)
    inp['edge_index'] = jax.random.randint(ks[4], (2, N_EDGES), 0, N_NODES, jnp.int64 if jax.config.jax_enable_x64 else jnp.int32)
    inp['edge_type'] = jax.random.randint(ks[5], (N_EDGES,), 0, 2, jnp.int64 if jax.config.jax_enable_x64 else jnp.int32)
    inp['W_des'] = _glorot(ks[6], (100, Q)); inp['b_des'] = jnp.zeros((Q,), jnp.float32)
    inp['W_tweet'] = _glorot(ks[7], (100, Q)); inp['b_tweet'] = jnp.zeros((Q,), jnp.float32)
    inp['W_num'] = _glorot(ks[8], (6, Q)); inp['b_num'] = jnp.zeros((Q,), jnp.float32)
    inp['W_cat'] = _glorot(ks[9], (11, Q)); inp['b_cat'] = jnp.zeros((Q,), jnp.float32)
    inp['W_in'] = _glorot(ks[10], (EMB, EMB)); inp['b_in'] = jnp.zeros((EMB,), jnp.float32)
    inp['W_rel'] = _glorot(ks[11], (2, EMB, EMB))
    inp['W_root'] = _glorot(ks[12], (EMB, EMB))
    inp['b_rgcn'] = jnp.zeros((EMB,), jnp.float32)
    inp['W_out1'] = _glorot(ks[13], (EMB, EMB)); inp['b_out1'] = jnp.zeros((EMB,), jnp.float32)
    inp['W_out2'] = _glorot(ks[14], (EMB, 2)); inp['b_out2'] = jnp.zeros((2,), jnp.float32)
    return inp


def _lrelu(x):
    return jax.nn.leaky_relu(x, negative_slope=0.01)


def _rgcn_conv(x, edge_index, edge_type, W_rel, W_root, b):
    src = edge_index[0]
    dst = edge_index[1]
    n = x.shape[0]
    out = x @ W_root + b
    for r in range(W_rel.shape[0]):
        mask = (edge_type == r).astype(x.dtype)
        msg = (jnp.take(x, src, axis=0) @ W_rel[r]) * mask[:, None]
        s = jax.ops.segment_sum(msg, dst, num_segments=n)
        cnt = jax.ops.segment_sum(mask, dst, num_segments=n)
        out = out + s / jnp.clip(cnt, 1.0, None)[:, None]
    return out


def reference(des, tweet, num_prop, cat_prop, edge_index, edge_type,
              W_des, b_des, W_tweet, b_tweet, W_num, b_num, W_cat, b_cat,
              W_in, b_in, W_rel, W_root, b_rgcn, W_out1, b_out1, W_out2, b_out2):
    d = _lrelu(des @ W_des + b_des)
    t = _lrelu(tweet @ W_tweet + b_tweet)
    n = _lrelu(num_prop @ W_num + b_num)
    c = _lrelu(cat_prop @ W_cat + b_cat)
    x = jnp.concatenate((d, t, n, c), axis=1)
    x = _lrelu(x @ W_in + b_in)
    x = _rgcn_conv(x, edge_index, edge_type, W_rel, W_root, b_rgcn)
    # dropout is identity in eval mode
    x = _rgcn_conv(x, edge_index, edge_type, W_rel, W_root, b_rgcn)
    x = _lrelu(x @ W_out1 + b_out1)
    x = x @ W_out2 + b_out2
    return x

if __name__ == "__main__":
    import jax
    _d = setup_inputs()
    print(jax.jit(kernel)(*tuple(_d.values())))

</pallas_src>

<mosaic_0001>
#map = affine_map<(d0, d1) -> (0, 0)>
#map1 = affine_map<(d0, d1) -> (0, 0, 0)>
module attributes {stable_mosaic.version = 14 : i64} {
  func.func @_sc_cnt_body(%arg0: i32, %arg1: i32, %arg2: memref<128x128xf32, #tpu.memory_space<hbm>>, %arg3: memref<5120x128xi32, #tpu.memory_space<hbm>>, %arg4: memref<2x10240x128xf32, #tpu.memory_space<hbm>>, %arg5: memref<10240x128xf32, #tpu.memory_space<vmem_shared>>, %arg6: memref<16x128xi32, #tpu.memory_space<vmem>>, %arg7: memref<128x128xf32, #tpu.memory_space<vmem>>, %arg8: memref<16x128xf32, #tpu.memory_space<vmem>>, %arg9: memref<!tpu.dma_semaphore, #tpu.memory_space<semaphore_mem>>) attributes {dimension_semantics = [#tpu.dimension_semantics<core_parallel>, #tpu.dimension_semantics<subcore_parallel>], iteration_bounds = array<i64: 2, 16>, scalar_prefetch = 0 : i64, scratch_operands = 5 : i64, tpu.core_type = #tpu.core_type<sc_vector_subcore>, window_params = [{transform_indices = #map}, {transform_indices = #map}, {transform_indices = #map1}]} {
    %broadcast_in_dim3A = arith.constant 0.000000e+00 : f32
    %broadcast_in_dim3A_0 = vector.broadcast %broadcast_in_dim3A : f32 to vector<16xf32>
    %swap3A = arith.constant 0 : i32
    %swap3A_1 = arith.index_cast %swap3A : i32 to index
    %swap3A_2 = arith.constant 0 : index
    %swap3A_3 = tpu.vector_load %arg8[%swap3A_1, %swap3A_2] {strides = array<i32>} : memref<16x128xf32, #tpu.memory_space<vmem>>, vector<1x16xf32>,
    %swap3A_4 = vector.shape_cast %swap3A_3 : vector<1x16xf32> to vector<16xf32>
    %swap3A_5 = vector.shape_cast %broadcast_in_dim3A_0 : vector<16xf32> to vector<1x16xf32>
    tpu.vector_store %arg8[%swap3A_1, %swap3A_2], %swap3A_5 {strides = array<i32>} : memref<16x128xf32, #tpu.memory_space<vmem>>, vector<1x16xf32>,
    %swap3A_6 = arith.constant 0 : i32
    %swap3A_7 = arith.index_cast %swap3A_6 : i32 to index
    %swap3A_8 = arith.constant 16 : index
    %swap3A_9 = tpu.vector_load %arg8[%swap3A_7, %swap3A_8] {strides = array<i32>} : memref<16x128xf32, #tpu.memory_space<vmem>>, vector<1x16xf32>,
    %swap3A_10 = vector.shape_cast %swap3A_9 : vector<1x16xf32> to vector<16xf32>
    %swap3A_11 = vector.shape_cast %broadcast_in_dim3A_0 : vector<16xf32> to vector<1x16xf32>
    tpu.vector_store %arg8[%swap3A_7, %swap3A_8], %swap3A_11 {strides = array<i32>} : memref<16x128xf32, #tpu.memory_space<vmem>>, vector<1x16xf32>,
    %swap3A_12 = arith.constant 0 : i32
    %swap3A_13 = arith.index_cast %swap3A_12 : i32 to index
    %swap3A_14 = arith.constant 32 : index
    %swap3A_15 = tpu.vector_load %arg8[%swap3A_13, %swap3A_14] {strides = array<i32>} : memref<16x128xf32, #tpu.memory_space<vmem>>, vector<1x16xf32>,
    %swap3A_16 = vector.shape_cast %swap3A_15 : vector<1x16xf32> to vector<16xf32>
    %swap3A_17 = vector.shape_cast %broadcast_in_dim3A_0 : vector<16xf32> to vector<1x16xf32>
    tpu.vector_store %arg8[%swap3A_13, %swap3A_14], %swap3A_17 {strides = array<i32>} : memref<16x128xf32, #tpu.memory_space<vmem>>, vector<1x16xf32>,
    %swap3A_18 = arith.constant 0 : i32
    %swap3A_19 = arith.index_cast %swap3A_18 : i32 to index
    %swap3A_20 = arith.constant 48 : index
    %swap3A_21 = tpu.vector_load %arg8[%swap3A_19, %swap3A_20] {strides = array<i32>} : memref<16x128xf32, #tpu.memory_space<vmem>>, vector<1x16xf32>,
    %swap3A_22 = vector.shape_cast %swap3A_21 : vector<1x16xf32> to vector<16xf32>
    %swap3A_23 = vector.shape_cast %broadcast_in_dim3A_0 : vector<16xf32> to vector<1x16xf32>
    tpu.vector_store %arg8[%swap3A_19, %swap3A_20], %swap3A_23 {strides = array<i32>} : memref<16x128xf32, #tpu.memory_space<vmem>>, vector<1x16xf32>,
    %swap3A_24 = arith.constant 0 : i32
    %swap3A_25 = arith.index_cast %swap3A_24 : i32 to index
    %swap3A_26 = arith.constant 64 : index
    %swap3A_27 = tpu.vector_load %arg8[%swap3A_25, %swap3A_26] {strides = array<i32>} : memref<16x128xf32, #tpu.memory_space<vmem>>, vector<1x16xf32>,
    %swap3A_28 = vector.shape_cast %swap3A_27 : vector<1x16xf32> to vector<16xf32>
    %swap3A_29 = vector.shape_cast %broadcast_in_dim3A_0 : vector<16xf32> to vector<1x16xf32>
    tpu.vector_store %arg8[%swap3A_25, %swap3A_26], %swap3A_29 {strides = array<i32>} : memref<16x128xf32, #tpu.memory_space<vmem>>, vector<1x16xf32>,
    %swap3A_30 = arith.constant 0 : i32
    %swap3A_31 = arith.index_cast %swap3A_30 : i32 to index
    %swap3A_32 = arith.constant 80 : index
    %swap3A_33 = tpu.vector_load %arg8[%swap3A_31, %swap3A_32] {strides = array<i32>} : memref<16x128xf32, #tpu.memory_space<vmem>>, vector<1x16xf32>,
    %swap3A_34 = vector.shape_cast %swap3A_33 : vector<1x16xf32> to vector<16xf32>
    %swap3A_35 = vector.shape_cast %broadcast_in_dim3A_0 : vector<16xf32> to vector<1x16xf32>
    tpu.vector_store %arg8[%swap3A_31, %swap3A_32], %swap3A_35 {strides = array<i32>} : memref<16x128xf32, #tpu.memory_space<vmem>>, vector<1x16xf32>,
    %swap3A_36 = arith.constant 0 : i32
    %swap3A_37 = arith.index_cast %swap3A_36 : i32 to index
    %swap3A_38 = arith.constant 96 : index
    %swap3A_39 = tpu.vector_load %arg8[%swap3A_37, %swap3A_38] {strides = array<i32>} : memref<16x128xf32, #tpu.memory_space<vmem>>, vector<1x16xf32>,
    %swap3A_40 = vector.shape_cast %swap3A_39 : vector<1x16xf32> to vector<16xf32>
    %swap3A_41 = vector.shape_cast %broadcast_in_dim3A_0 : vector<16xf32> to vector<1x16xf32>
    tpu.vector_store %arg8[%swap3A_37, %swap3A_38], %swap3A_41 {strides = array<i32>} : memref<16x128xf32, #tpu.memory_space<vmem>>, vector<1x16xf32>,
    %swap3A_42 = arith.constant 0 : i32
    %swap3A_43 = arith.index_cast %swap3A_42 : i32 to index
    %swap3A_44 = arith.constant 112 : index
    %swap3A_45 = tpu.vector_load %arg8[%swap3A_43, %swap3A_44] {strides = array<i32>} : memref<16x128xf32, #tpu.memory_space<vmem>>, vector<1x16xf32>,
    %swap3A_46 = vector.shape_cast %swap3A_45 : vector<1x16xf32> to vector<16xf32>
    %swap3A_47 = vector.shape_cast %broadcast_in_dim3A_0 : vector<16xf32> to vector<1x16xf32>
    tpu.vector_store %arg8[%swap3A_43, %swap3A_44], %swap3A_47 {strides = array<i32>} : memref<16x128xf32, #tpu.memory_space<vmem>>, vector<1x16xf32>,
    %swap3A_48 = arith.constant 1 : i32
    %swap3A_49 = arith.index_cast %swap3A_48 : i32 to index
    %swap3A_50 = arith.constant 0 : index
    %swap3A_51 = tpu.vector_load %arg8[%swap3A_49, %swap3A_50] {strides = array<i32>} : memref<16x128xf32, #tpu.memory_space<vmem>>, vector<1x16xf32>,
    %swap3A_52 = vector.shape_cast %swap3A_51 : vector<1x16xf32> to vector<16xf32>
    %swap3A_53 = vector.shape_cast %broadcast_in_dim3A_0 : vector<16xf32> to vector<1x16xf32>
    tpu.vector_store %arg8[%swap3A_49, %swap3A_50], %swap3A_53 {strides = array<i32>} : memref<16x128xf32, #tpu.memory_space<vmem>>, vector<1x16xf32>,
    %swap3A_54 = arith.constant 1 : i32
    %swap3A_55 = arith.index_cast %swap3A_54 : i32 to index
    %swap3A_56 = arith.constant 16 : index
    %swap3A_57 = tpu.vector_load %arg8[%swap3A_55, %swap3A_56] {strides = array<i32>} : memref<16x128xf32, #tpu.memory_space<vmem>>, vector<1x16xf32>,
    %swap3A_58 = vector.shape_cast %swap3A_57 : vector<1x16xf32> to vector<16xf32>
    %swap3A_59 = vector.shape_cast %broadcast_in_dim3A_0 : vector<16xf32> to vector<1x16xf32>
    tpu.vector_store %arg8[%swap3A_55, %swap3A_56], %swap3A_59 {strides = array<i32>} : memref<16x128xf32, #tpu.memory_space<vmem>>, vector<1x16xf32>,
    %swap3A_60 = arith.constant 1 : i32
    %swap3A_61 = arith.index_cast %swap3A_60 : i32 to index
    %swap3A_62 = arith.constant 32 : index
    %swap3A_63 = tpu.vector_load %arg8[%swap3A_61, %swap3A_62] {strides = array<i32>} : memref<16x128xf32, #tpu.memory_space<vmem>>, vector<1x16xf32>,
    %swap3A_64 = vector.shape_cast %swap3A_63 : vector<1x16xf32> to vector<16xf32>
    %swap3A_65 = vector.shape_cast %broadcast_in_dim3A_0 : vector<16xf32> to vector<1x16xf32>
    tpu.vector_store %arg8[%swap3A_61, %swap3A_62], %swap3A_65 {strides = array<i32>} : memref<16x128xf32, #tpu.memory_space<vmem>>, vector<1x16xf32>,
    %swap3A_66 = arith.constant 1 : i32
    %swap3A_67 = arith.index_cast %swap3A_66 : i32 to index
    %swap3A_68 = arith.constant 48 : index
    %swap3A_69 = tpu.vector_load %arg8[%swap3A_67, %swap3A_68] {strides = array<i32>} : memref<16x128xf32, #tpu.memory_space<vmem>>, vector<1x16xf32>,
    %swap3A_70 = vector.shape_cast %swap3A_69 : vector<1x16xf32> to vector<16xf32>
    %swap3A_71 = vector.shape_cast %broadcast_in_dim3A_0 : vector<16xf32> to vector<1x16xf32>
    tpu.vector_store %arg8[%swap3A_67, %swap3A_68], %swap3A_71 {strides = array<i32>} : memref<16x128xf32, #tpu.memory_space<vmem>>, vector<1x16xf32>,
    %swap3A_72 = arith.constant 1 : i32
    %swap3A_73 = arith.index_cast %swap3A_72 : i32 to index
    %swap3A_74 = arith.constant 64 : index
    %swap3A_75 = tpu.vector_load %arg8[%swap3A_73, %swap3A_74] {strides = array<i32>} : memref<16x128xf32, #tpu.memory_space<vmem>>, vector<1x16xf32>,
    %swap3A_76 = vector.shape_cast %swap3A_75 : vector<1x16xf32> to vector<16xf32>
    %swap3A_77 = vector.shape_cast %broadcast_in_dim3A_0 : vector<16xf32> to vector<1x16xf32>
    tpu.vector_store %arg8[%swap3A_73, %swap3A_74], %swap3A_77 {strides = array<i32>} : memref<16x128xf32, #tpu.memory_space<vmem>>, vector<1x16xf32>,
    %swap3A_78 = arith.constant 1 : i32
    %swap3A_79 = arith.index_cast %swap3A_78 : i32 to index
    %swap3A_80 = arith.constant 80 : index
    %swap3A_81 = tpu.vector_load %arg8[%swap3A_79, %swap3A_80] {strides = array<i32>} : memref<16x128xf32, #tpu.memory_space<vmem>>, vector<1x16xf32>,
    %swap3A_82 = vector.shape_cast %swap3A_81 : vector<1x16xf32> to vector<16xf32>
    %swap3A_83 = vector.shape_cast %broadcast_in_dim3A_0 : vector<16xf32> to vector<1x16xf32>
    tpu.vector_store %arg8[%swap3A_79, %swap3A_80], %swap3A_83 {strides = array<i32>} : memref<16x128xf32, #tpu.memory_space<vmem>>, vector<1x16xf32>,
    %swap3A_84 = arith.constant 1 : i32
    %swap3A_85 = arith.index_cast %swap3A_84 : i32 to index
    %swap3A_86 = arith.constant 96 : index
    %swap3A_87 = tpu.vector_load %arg8[%swap3A_85, %swap3A_86] {strides = array<i32>} : memref<16x128xf32, #tpu.memory_space<vmem>>, vector<1x16xf32>,
    %swap3A_88 = vector.shape_cast %swap3A_87 : vector<1x16xf32> to vector<16xf32>
    %swap3A_89 = vector.shape_cast %broadcast_in_dim3A_0 : vector<16xf32> to vector<1x16xf32>
    tpu.vector_store %arg8[%swap3A_85, %swap3A_86], %swap3A_89 {strides = array<i32>} : memref<16x128xf32, #tpu.memory_space<vmem>>, vector<1x16xf32>,
    %swap3A_90 = arith.constant 1 : i32
    %swap3A_91 = arith.index_cast %swap3A_90 : i32 to index
    %swap3A_92 = arith.constant 112 : index
    %swap3A_93 = tpu.vector_load %arg8[%swap3A_91, %swap3A_92] {strides = array<i32>} : memref<16x128xf32, #tpu.memory_space<vmem>>, vector<1x16xf32>,
    %swap3A_94 = vector.shape_cast %swap3A_93 : vector<1x16xf32> to vector<16xf32>
    %swap3A_95 = vector.shape_cast %broadcast_in_dim3A_0 : vector<16xf32> to vector<1x16xf32>
    tpu.vector_store %arg8[%swap3A_91, %swap3A_92], %swap3A_95 {strides = array<i32>} : memref<16x128xf32, #tpu.memory_space<vmem>>, vector<1x16xf32>,
    %swap3A_96 = arith.constant 2 : i32
    %swap3A_97 = arith.index_cast %swap3A_96 : i32 to index
    %swap3A_98 = arith.constant 0 : index
    %swap3A_99 = tpu.vector_load %arg8[%swap3A_97, %swap3A_98] {strides = array<i32>} : memref<16x128xf32, #tpu.memory_space<vmem>>, vector<1x16xf32>,
    %swap3A_100 = vector.shape_cast %swap3A_99 : vector<1x16xf32> to vector<16xf32>
    %swap3A_101 = vector.shape_cast %broadcast_in_dim3A_0 : vector<16xf32> to vector<1x16xf32>
    tpu.vector_store %arg8[%swap3A_97, %swap3A_98], %swap3A_101 {strides = array<i32>} : memref<16x128xf32, #tpu.memory_space<vmem>>, vector<1x16xf32>,
    %swap3A_102 = arith.constant 2 : i32
    %swap3A_103 = arith.index_cast %swap3A_102 : i32 to index
    %swap3A_104 = arith.constant 16 : index
    %swap3A_105 = tpu.vector_load %arg8[%swap3A_103, %swap3A_104] {strides = array<i32>} : memref<16x128xf32, #tpu.memory_space<vmem>>, vector<1x16xf32>,
    %swap3A_106 = vector.shape_cast %swap3A_105 : vector<1x16xf32> to vector<16xf32>
    %swap3A_107 = vector.shape_cast %broadcast_in_dim3A_0 : vector<16xf32> to vector<1x16xf32>
    tpu.vector_store %arg8[%swap3A_103, %swap3A_104], %swap3A_107 {strides = array<i32>} : memref<16x128xf32, #tpu.memory_space<vmem>>, vector<1x16xf32>,
    %swap3A_108 = arith.constant 2 : i32
    %swap3A_109 = arith.index_cast %swap3A_108 : i32 to index
    %swap3A_110 = arith.constant 32 : index
    %swap3A_111 = tpu.vector_load %arg8[%swap3A_109, %swap3A_110] {strides = array<i32>} : memref<16x128xf32, #tpu.memory_space<vmem>>, vector<1x16xf32>,
    %swap3A_112 = vector.shape_cast %swap3A_111 : vector<1x16xf32> to vector<16xf32>
    %swap3A_113 = vector.shape_cast %broadcast_in_dim3A_0 : vector<16xf32> to vector<1x16xf32>
    tpu.vector_store %arg8[%swap3A_109, %swap3A_110], %swap3A_113 {strides = array<i32>} : memref<16x128xf32, #tpu.memory_space<vmem>>, vector<1x16xf32>,
    %swap3A_114 = arith.constant 2 : i32
    %swap3A_115 = arith.index_cast %swap3A_114 : i32 to index
    %swap3A_116 = arith.constant 48 : index
    %swap3A_117 = tpu.vector_load %arg8[%swap3A_115, %swap3A_116] {strides = array<i32>} : memref<16x128xf32, #tpu.memory_space<vmem>>, vector<1x16xf32>,
    %swap3A_118 = vector.shape_cast %swap3A_117 : vector<1x16xf32> to vector<16xf32>
    %swap3A_119 = vector.shape_cast %broadcast_in_dim3A_0 : vector<16xf32> to vector<1x16xf32>
    tpu.vector_store %arg8[%swap3A_115, %swap3A_116], %swap3A_119 {strides = array<i32>} : memref<16x128xf32, #tpu.memory_space<vmem>>, vector<1x16xf32>,
    %swap3A_120 = arith.constant 2 : i32
    %swap3A_121 = arith.index_cast %swap3A_120 : i32 to index
    %swap3A_122 = arith.constant 64 : index
    %swap3A_123 = tpu.vector_load %arg8[%swap3A_121, %swap3A_122] {strides = array<i32>} : memref<16x128xf32, #tpu.memory_space<vmem>>, vector<1x16xf32>,
    %swap3A_124 = vector.shape_cast %swap3A_123 : vector<1x16xf32> to vector<16xf32>
    %swap3A_125 = vector.shape_cast %broadcast_in_dim3A_0 : vector<16xf32> to vector<1x16xf32>
    tpu.vector_store %arg8[%swap3A_121, %swap3A_122], %swap3A_125 {strides = array<i32>} : memref<16x128xf32, #tpu.memory_space<vmem>>, vector<1x16xf32>,
    %swap3A_126 = arith.constant 2 : i32
    %swap3A_127 = arith.index_cast %swap3A_126 : i32 to index
    %swap3A_128 = arith.constant 80 : index
    %swap3A_129 = tpu.vector_load %arg8[%swap3A_127, %swap3A_128] {strides = array<i32>} : memref<16x128xf32, #tpu.memory_space<vmem>>, vector<1x16xf32>,
    %swap3A_130 = vector.shape_cast %swap3A_129 : vector<1x16xf32> to vector<16xf32>
    %swap3A_131 = vector.shape_cast %broadcast_in_dim3A_0 : vector<16xf32> to vector<1x16xf32>
    tpu.vector_store %arg8[%swap3A_127, %swap3A_128], %swap3A_131 {strides = array<i32>} : memref<16x128xf32, #tpu.memory_space<vmem>>, vector<1x16xf32>,
    %swap3A_132 = arith.constant 2 : i32
    %swap3A_133 = arith.index_cast %swap3A_132 : i32 to index
    %swap3A_134 = arith.constant 96 : index
    %swap3A_135 = tpu.vector_load %arg8[%swap3A_133, %swap3A_134] {strides = array<i32>} : memref<16x128xf32, #tpu.memory_space<vmem>>, vector<1x16xf32>,
    %swap3A_136 = vector.shape_cast %swap3A_135 : vector<1x16xf32> to vector<16xf32>
    %swap3A_137 = vector.shape_cast %broadcast_in_dim3A_0 : vector<16xf32> to vector<1x16xf32>
    tpu.vector_store %arg8[%swap3A_133, %swap3A_134], %swap3A_137 {strides = array<i32>} : memref<16x128xf32, #tpu.memory_space<vmem>>, vector<1x16xf32>,
    %swap3A_138 = arith.constant 2 : i32
    %swap3A_139 = arith.index_cast %swap3A_138 : i32 to index
    %swap3A_140 = arith.constant 112 : index
    %swap3A_141 = tpu.vector_load %arg8[%swap3A_139, %swap3A_140] {strides = array<i32>} : memref<16x128xf32, #tpu.memory_space<vmem>>, vector<1x16xf32>,
    %swap3A_142 = vector.shape_cast %swap3A_141 : vector<1x16xf32> to vector<16xf32>
    %swap3A_143 = vector.shape_cast %broadcast_in_dim3A_0 : vector<16xf32> to vector<1x16xf32>
    tpu.vector_store %arg8[%swap3A_139, %swap3A_140], %swap3A_143 {strides = array<i32>} : memref<16x128xf32, #tpu.memory_space<vmem>>, vector<1x16xf32>,
    %swap3A_144 = arith.constant 3 : i32
    %swap3A_145 = arith.index_cast %swap3A_144 : i32 to index
    %swap3A_146 = arith.constant 0 : index
    %swap3A_147 = tpu.vector_load %arg8[%swap3A_145, %swap3A_146] {strides = array<i32>} : memref<16x128xf32, #tpu.memory_space<vmem>>, vector<1x16xf32>,
    %swap3A_148 = vector.shape_cast %swap3A_147 : vector<1x16xf32> to vector<16xf32>
    %swap3A_149 = vector.shape_cast %broadcast_in_dim3A_0 : vector<16xf32> to vector<1x16xf32>
    tpu.vector_store %arg8[%swap3A_145, %swap3A_146], %swap3A_149 {strides = array<i32>} : memref<16x128xf32, #tpu.memory_space<vmem>>, vector<1x16xf32>,
    %swap3A_150 = arith.constant 3 : i32
    %swap3A_151 = arith.index_cast %swap3A_150 : i32 to index
    %swap3A_152 = arith.constant 16 : index
    %swap3A_153 = tpu.vector_load %arg8[%swap3A_151, %swap3A_152] {strides = array<i32>} : memref<16x128xf32, #tpu.memory_space<vmem>>, vector<1x16xf32>,
    %swap3A_154 = vector.shape_cast %swap3A_153 : vector<1x16xf32> to vector<16xf32>
    %swap3A_155 = vector.shape_cast %broadcast_in_dim3A_0 : vector<16xf32> to vector<1x16xf32>
    tpu.vector_store %arg8[%swap3A_151, %swap3A_152], %swap3A_155 {strides = array<i32>} : memref<16x128xf32, #tpu.memory_space<vmem>>, vector<1x16xf32>,
    %swap3A_156 = arith.constant 3 : i32
    %swap3A_157 = arith.index_cast %swap3A_156 : i32 to index
    %swap3A_158 = arith.constant 32 : index
    %swap3A_159 = tpu.vector_load %arg8[%swap3A_157, %swap3A_158] {strides = array<i32>} : memref<16x128xf32, #tpu.memory_space<vmem>>, vector<1x16xf32>,
    %swap3A_160 = vector.shape_cast %swap3A_159 : vector<1x16xf32> to vector<16xf32>
    %swap3A_161 = vector.shape_cast %broadcast_in_dim3A_0 : vector<16xf32> to vector<1x16xf32>
    tpu.vector_store %arg8[%swap3A_157, %swap3A_158], %swap3A_161 {strides = array<i32>} : memref<16x128xf32, #tpu.memory_space<vmem>>, vector<1x16xf32>,
    %swap3A_162 = arith.constant 3 : i32
    %swap3A_163 = arith.index_cast %swap3A_162 : i32 to index
    %swap3A_164 = arith.constant 48 : index
    %swap3A_165 = tpu.vector_load %arg8[%swap3A_163, %swap3A_164] {strides = array<i32>} : memref<16x128xf32, #tpu.memory_space<vmem>>, vector<1x16xf32>,
    %swap3A_166 = vector.shape_cast %swap3A_165 : vector<1x16xf32> to vector<16xf32>
    %swap3A_167 = vector.shape_cast %broadcast_in_dim3A_0 : vector<16xf32> to vector<1x16xf32>
    tpu.vector_store %arg8[%swap3A_163, %swap3A_164], %swap3A_167 {strides = array<i32>} : memref<16x128xf32, #tpu.memory_space<vmem>>, vector<1x16xf32>,
    %swap3A_168 = arith.constant 3 : i32
    %swap3A_169 = arith.index_cast %swap3A_168 : i32 to index
    %swap3A_170 = arith.constant 64 : index
    %swap3A_171 = tpu.vector_load %arg8[%swap3A_169, %swap3A_170] {strides = array<i32>} : memref<16x128xf32, #tpu.memory_space<vmem>>, vector<1x16xf32>,
    %swap3A_172 = vector.shape_cast %swap3A_171 : vector<1x16xf32> to vector<16xf32>
    %swap3A_173 = vector.shape_cast %broadcast_in_dim3A_0 : vector<16xf32> to vector<1x16xf32>
    tpu.vector_store %arg8[%swap3A_169, %swap3A_170], %swap3A_173 {strides = array<i32>} : memref<16x128xf32, #tpu.memory_space<vmem>>, vector<1x16xf32>,
    %swap3A_174 = arith.constant 3 : i32
    %swap3A_175 = arith.index_cast %swap3A_174 : i32 to index
    %swap3A_176 = arith.constant 80 : index
    %swap3A_177 = tpu.vector_load %arg8[%swap3A_175, %swap3A_176] {strides = array<i32>} : memref<16x128xf32, #tpu.memory_space<vmem>>, vector<1x16xf32>,
    %swap3A_178 = vector.shape_cast %swap3A_177 : vector<1x16xf32> to vector<16xf32>
    %swap3A_179 = vector.shape_cast %broadcast_in_dim3A_0 : vector<16xf32> to vector<1x16xf32>
    tpu.vector_store %arg8[%swap3A_175, %swap3A_176], %swap3A_179 {strides = array<i32>} : memref<16x128xf32, #tpu.memory_space<vmem>>, vector<1x16xf32>,
    %swap3A_180 = arith.constant 3 : i32
    %swap3A_181 = arith.index_cast %swap3A_180 : i32 to index
    %swap3A_182 = arith.constant 96 : index
    %swap3A_183 = tpu.vector_load %arg8[%swap3A_181, %swap3A_182] {strides = array<i32>} : memref<16x128xf32, #tpu.memory_space<vmem>>, vector<1x16xf32>,
    %swap3A_184 = vector.shape_cast %swap3A_183 : vector<1x16xf32> to vector<16xf32>
    %swap3A_185 = vector.shape_cast %broadcast_in_dim3A_0 : vector<16xf32> to vector<1x16xf32>
    tpu.vector_store %arg8[%swap3A_181, %swap3A_182], %swap3A_185 {strides = array<i32>} : memref<16x128xf32, #tpu.memory_space<vmem>>, vector<1x16xf32>,
    %swap3A_186 = arith.constant 3 : i32
    %swap3A_187 = arith.index_cast %swap3A_186 : i32 to index
    %swap3A_188 = arith.constant 112 : index
    %swap3A_189 = tpu.vector_load %arg8[%swap3A_187, %swap3A_188] {strides = array<i32>} : memref<16x128xf32, #tpu.memory_space<vmem>>, vector<1x16xf32>,
    %swap3A_190 = vector.shape_cast %swap3A_189 : vector<1x16xf32> to vector<16xf32>
    %swap3A_191 = vector.shape_cast %broadcast_in_dim3A_0 : vector<16xf32> to vector<1x16xf32>
    tpu.vector_store %arg8[%swap3A_187, %swap3A_188], %swap3A_191 {strides = array<i32>} : memref<16x128xf32, #tpu.memory_space<vmem>>, vector<1x16xf32>,
    %swap3A_192 = arith.constant 4 : i32
    %swap3A_193 = arith.index_cast %swap3A_192 : i32 to index
    %swap3A_194 = arith.constant 0 : index
    %swap3A_195 = tpu.vector_load %arg8[%swap3A_193, %swap3A_194] {strides = array<i32>} : memref<16x128xf32, #tpu.memory_space<vmem>>, vector<1x16xf32>,
    %swap3A_196 = vector.shape_cast %swap3A_195 : vector<1x16xf32> to vector<16xf32>
    %swap3A_197 = vector.shape_cast %broadcast_in_dim3A_0 : vector<16xf32> to vector<1x16xf32>
    tpu.vector_store %arg8[%swap3A_193, %swap3A_194], %swap3A_197 {strides = array<i32>} : memref<16x128xf32, #tpu.memory_space<vmem>>, vector<1x16xf32>,
    %swap3A_198 = arith.constant 4 : i32
    %swap3A_199 = arith.index_cast %swap3A_198 : i32 to index
    %swap3A_200 = arith.constant 16 : index
    %swap3A_201 = tpu.vector_load %arg8[%swap3A_199, %swap3A_200] {strides = array<i32>} : memref<16x128xf32, #tpu.memory_space<vmem>>, vector<1x16xf32>,
    %swap3A_202 = vector.shape_cast %swap3A_201 : vector<1x16xf32> to vector<16xf32>
    %swap3A_203 = vector.shape_cast %broadcast_in_dim3A_0 : vector<16xf32> to vector<1x16xf32>
    tpu.vector_store %arg8[%swap3A_199, %swap3A_200], %swap3A_203 {strides = array<i32>} : memref<16x128xf32, #tpu.memory_space<vmem>>, vector<1x16xf32>,
    %swap3A_204 = arith.constant 4 : i32
    %swap3A_205 = arith.index_cast %swap3A_204 : i32 to index
    %swap3A_206 = arith.constant 32 : index
    %swap3A_207 = tpu.vector_load %arg8[%swap3A_205, %swap3A_206] {strides = array<i32>} : memref<16x128xf32, #tpu.memory_space<vmem>>, vector<1x16xf32>,
    %swap3A_208 = vector.shape_cast %swap3A_207 : vector<1x16xf32> to vector<16xf32>
    %swap3A_209 = vector.shape_cast %broadcast_in_dim3A_0 : vector<16xf32> to vector<1x16xf32>
    tpu.vector_store %arg8[%swap3A_205, %swap3A_206], %swap3A_209 {strides = array<i32>} : memref<16x128xf32, #tpu.memory_space<vmem>>, vector<1x16xf32>,
    %swap3A_210 = arith.constant 4 : i32
    %swap3A_211 = arith.index_cast %swap3A_210 : i32 to index
    %swap3A_212 = arith.constant 48 : index
    %swap3A_213 = tpu.vector_load %arg8[%swap3A_211, %swap3A_212] {strides = array<i32>} : memref<16x128xf32, #tpu.memory_space<vmem>>, vector<1x16xf32>,
    %swap3A_214 = vector.shape_cast %swap3A_213 : vector<1x16xf32> to vector<16xf32>
    %swap3A_215 = vector.shape_cast %broadcast_in_dim3A_0 : vector<16xf32> to vector<1x16xf32>
    tpu.vector_store %arg8[%swap3A_211, %swap3A_212], %swap3A_215 {strides = array<i32>} : memref<16x128xf32, #tpu.memory_space<vmem>>, vector<1x16xf32>,
    %swap3A_216 = arith.constant 4 : i32
    %swap3A_217 = arith.index_cast %swap3A_216 : i32 to index
    %swap3A_218 = arith.constant 64 : index
    %swap3A_219 = tpu.vector_load %arg8[%swap3A_217, %swap3A_218] {strides = array<i32>} : memref<16x128xf32, #tpu.memory_space<vmem>>, vector<1x16xf32>,
    %swap3A_220 = vector.shape_cast %swap3A_219 : vector<1x16xf32> to vector<16xf32>
    %swap3A_221 = vector.shape_cast %broadcast_in_dim3A_0 : vector<16xf32> to vector<1x16xf32>
    tpu.vector_store %arg8[%swap3A_217, %swap3A_218], %swap3A_221 {strides = array<i32>} : memref<16x128xf32, #tpu.memory_space<vmem>>, vector<1x16xf32>,
    %swap3A_222 = arith.constant 4 : i32
    %swap3A_223 = arith.index_cast %swap3A_222 : i32 to index
    %swap3A_224 = arith.constant 80 : index
    %swap3A_225 = tpu.vector_load %arg8[%swap3A_223, %swap3A_224] {strides = array<i32>} : memref<16x128xf32, #tpu.memory_space<vmem>>, vector<1x16xf32>,
    %swap3A_226 = vector.shape_cast %swap3A_225 : vector<1x16xf32> to vector<16xf32>
    %swap3A_227 = vector.shape_cast %broadcast_in_dim3A_0 : vector<16xf32> to vector<1x16xf32>
    tpu.vector_store %arg8[%swap3A_223, %swap3A_224], %swap3A_227 {strides = array<i32>} : memref<16x128xf32, #tpu.memory_space<vmem>>, vector<1x16xf32>,
    %swap3A_228 = arith.constant 4 : i32
    %swap3A_229 = arith.index_cast %swap3A_228 : i32 to index
    %swap3A_230 = arith.constant 96 : index
    %swap3A_231 = tpu.vector_load %arg8[%swap3A_229, %swap3A_230] {strides = array<i32>} : memref<16x128xf32, #tpu.memory_space<vmem>>, vector<1x16xf32>,
    %swap3A_232 = vector.shape_cast %swap3A_231 : vector<1x16xf32> to vector<16xf32>
    %swap3A_233 = vector.shape_cast %broadcast_in_dim3A_0 : vector<16xf32> to vector<1x16xf32>
    tpu.vector_store %arg8[%swap3A_229, %swap3A_230], %swap3A_233 {strides = array<i32>} : memref<16x128xf32, #tpu.memory_space<vmem>>, vector<1x16xf32>,
    %swap3A_234 = arith.constant 4 : i32
    %swap3A_235 = arith.index_cast %swap3A_234 : i32 to index
    %swap3A_236 = arith.constant 112 : index
    %swap3A_237 = tpu.vector_load %arg8[%swap3A_235, %swap3A_236] {strides = array<i32>} : memref<16x128xf32, #tpu.memory_space<vmem>>, vector<1x16xf32>,
    %swap3A_238 = vector.shape_cast %swap3A_237 : vector<1x16xf32> to vector<16xf32>
    %swap3A_239 = vector.shape_cast %broadcast_in_dim3A_0 : vector<16xf32> to vector<1x16xf32>
    tpu.vector_store %arg8[%swap3A_235, %swap3A_236], %swap3A_239 {strides = array<i32>} : memref<16x128xf32, #tpu.memory_space<vmem>>, vector<1x16xf32>,
    %swap3A_240 = arith.constant 5 : i32
    %swap3A_241 = arith.index_cast %swap3A_240 : i32 to index
    %swap3A_242 = arith.constant 0 : index
    %swap3A_243 = tpu.vector_load %arg8[%swap3A_241, %swap3A_242] {strides = array<i32>} : memref<16x128xf32, #tpu.memory_space<vmem>>, vector<1x16xf32>,
    %swap3A_244 = vector.shape_cast %swap3A_243 : vector<1x16xf32> to vector<16xf32>
    %swap3A_245 = vector.shape_cast %broadcast_in_dim3A_0 : vector<16xf32> to vector<1x16xf32>
    tpu.vector_store %arg8[%swap3A_241, %swap3A_242], %swap3A_245 {strides = array<i32>} : memref<16x128xf32, #tpu.memory_space<vmem>>, vector<1x16xf32>,
    %swap3A_246 = arith.constant 5 : i32
    %swap3A_247 = arith.index_cast %swap3A_246 : i32 to index
    %swap3A_248 = arith.constant 16 : index
    %swap3A_249 = tpu.vector_load %arg8[%swap3A_247, %swap3A_248] {strides = array<i32>} : memref<16x128xf32, #tpu.memory_space<vmem>>, vector<1x16xf32>,
    %swap3A_250 = vector.shape_cast %swap3A_249 : vector<1x16xf32> to vector<16xf32>
    %swap3A_251 = vector.shape_cast %broadcast_in_dim3A_0 : vector<16xf32> to vector<1x16xf32>
    tpu.vector_store %arg8[%swap3A_247, %swap3A_248], %swap3A_251 {strides = array<i32>} : memref<16x128xf32, #tpu.memory_space<vmem>>, vector<1x16xf32>,
    %swap3A_252 = arith.constant 5 : i32
    %swap3A_253 = arith.index_cast %swap3A_252 : i32 to index
    %swap3A_254 = arith.constant 32 : index
    %swap3A_255 = tpu.vector_load %arg8[%swap3A_253, %swap3A_254] {strides = array<i32>} : memref<16x128xf32, #tpu.memory_space<vmem>>, vector<1x16xf32>,
    %swap3A_256 = vector.shape_cast %swap3A_255 : vector<1x16xf32> to vector<16xf32>
    %swap3A_257 = vector.shape_cast %broadcast_in_dim3A_0 : vector<16xf32> to vector<1x16xf32>
    tpu.vector_store %arg8[%swap3A_253, %swap3A_254], %swap3A_257 {strides = array<i32>} : memref<16x128xf32, #tpu.memory_space<vmem>>, vector<1x16xf32>,
    %swap3A_258 = arith.constant 5 : i32
    %swap3A_259 = arith.index_cast %swap3A_258 : i32 to index
    %swap3A_260 = arith.constant 48 : index
    %swap3A_261 = tpu.vector_load %arg8[%swap3A_259, %swap3A_260] {strides = array<i32>} : memref<16x128xf32, #tpu.memory_space<vmem>>, vector<1x16xf32>,
    %swap3A_262 = vector.shape_cast %swap3A_261 : vector<1x16xf32> to vector<16xf32>
    %swap3A_263 = vector.shape_cast %broadcast_in_dim3A_0 : vector<16xf32> to vector<1x16xf32>
    tpu.vector_store %arg8[%swap3A_259, %swap3A_260], %swap3A_263 {strides = array<i32>} : memref<16x128xf32, #tpu.memory_space<vmem>>, vector<1x16xf32>,
    %swap3A_264 = arith.constant 5 : i32
    %swap3A_265 = arith.index_cast %swap3A_264 : i32 to index
    %swap3A_266 = arith.constant 64 : index
    %swap3A_267 = tpu.vector_load %arg8[%swap3A_265, %swap3A_266] {strides = array<i32>} : memref<16x128xf32, #tpu.memory_space<vmem>>, vector<1x16xf32>,
    %swap3A_268 = vector.shape_cast %swap3A_267 : vector<1x16xf32> to vector<16xf32>
    %swap3A_269 = vector.shape_cast %broadcast_in_dim3A_0 : vector<16xf32> to vector<1x16xf32>
    tpu.vector_store %arg8[%swap3A_265, %swap3A_266], %swap3A_269 {strides = array<i32>} : memref<16x128xf32, #tpu.memory_space<vmem>>, vector<1x16xf32>,
    %swap3A_270 = arith.constant 5 : i32
    %swap3A_271 = arith.index_cast %swap3A_270 : i32 to index
    %swap3A_272 = arith.constant 80 : index
    %swap3A_273 = tpu.vector_load %arg8[%swap3A_271, %swap3A_272] {strides = array<i32>} : memref<16x128xf32, #tpu.memory_space<vmem>>, vector<1x16xf32>,
    %swap3A_274 = vector.shape_cast %swap3A_273 : vector<1x16xf32> to vector<16xf32>
    %swap3A_275 = vector.shape_cast %broadcast_in_dim3A_0 : vector<16xf32> to vector<1x16xf32>
    tpu.vector_store %arg8[%swap3A_271, %swap3A_272], %swap3A_275 {strides = array<i32>} : memref<16x128xf32, #tpu.memory_space<vmem>>, vector<1x16xf32>,
    %swap3A_276 = arith.constant 5 : i32
    %swap3A_277 = arith.index_cast %swap3A_276 : i32 to index
    %swap3A_278 = arith.constant 96 : index
    %swap3A_279 = tpu.vector_load %arg8[%swap3A_277, %swap3A_278] {strides = array<i32>} : memref<16x128xf32, #tpu.memory_space<vmem>>, vector<1x16xf32>,
    %swap3A_280 = vector.shape_cast %swap3A_279 : vector<1x16xf32> to vector<16xf32>
    %swap3A_281 = vector.shape_cast %broadcast_in_dim3A_0 : vector<16xf32> to vector<1x16xf32>
    tpu.vector_store %arg8[%swap3A_277, %swap3A_278], %swap3A_281 {strides = array<i32>} : memref<16x128xf32, #tpu.memory_space<vmem>>, vector<1x16xf32>,
    %swap3A_282 = arith.constant 5 : i32
    %swap3A_283 = arith.index_cast %swap3A_282 : i32 to index
    %swap3A_284 = arith.constant 112 : index
    %swap3A_285 = tpu.vector_load %arg8[%swap3A_283, %swap3A_284] {strides = array<i32>} : memref<16x128xf32, #tpu.memory_space<vmem>>, vector<1x16xf32>,
    %swap3A_286 = vector.shape_cast %swap3A_285 : vector<1x16xf32> to vector<16xf32>
    %swap3A_287 = vector.shape_cast %broadcast_in_dim3A_0 : vector<16xf32> to vector<1x16xf32>
    tpu.vector_store %arg8[%swap3A_283, %swap3A_284], %swap3A_287 {strides = array<i32>} : memref<16x128xf32, #tpu.memory_space<vmem>>, vector<1x16xf32>,
    %swap3A_288 = arith.constant 6 : i32
    %swap3A_289 = arith.index_cast %swap3A_288 : i32 to index
    %swap3A_290 = arith.constant 0 : index
    %swap3A_291 = tpu.vector_load %arg8[%swap3A_289, %swap3A_290] {strides = array<i32>} : memref<16x128xf32, #tpu.memory_space<vmem>>, vector<1x16xf32>,
    %swap3A_292 = vector.shape_cast %swap3A_291 : vector<1x16xf32> to vector<16xf32>
    %swap3A_293 = vector.shape_cast %broadcast_in_dim3A_0 : vector<16xf32> to vector<1x16xf32>
    tpu.vector_store %arg8[%swap3A_289, %swap3A_290], %swap3A_293 {strides = array<i32>} : memref<16x128xf32, #tpu.memory_space<vmem>>, vector<1x16xf32>,
    %swap3A_294 = arith.constant 6 : i32
    %swap3A_295 = arith.index_cast %swap3A_294 : i32 to index
    %swap3A_296 = arith.constant 16 : index
    %swap3A_297 = tpu.vector_load %arg8[%swap3A_295, %swap3A_296] {strides = array<i32>} : memref<16x128xf32, #tpu.memory_space<vmem>>, vector<1x16xf32>,
    %swap3A_298 = vector.shape_cast %swap3A_297 : vector<1x16xf32> to vector<16xf32>
    %swap3A_299 = vector.shape_cast %broadcast_in_dim3A_0 : vector<16xf32> to vector<1x16xf32>
    tpu.vector_store %arg8[%swap3A_295, %swap3A_296], %swap3A_299 {strides = array<i32>} : memref<16x128xf32, #tpu.memory_space<vmem>>, vector<1x16xf32>,
    %swap3A_300 = arith.constant 6 : i32
    %swap3A_301 = arith.index_cast %swap3A_300 : i32 to index
    %swap3A_302 = arith.constant 32 : index
    %swap3A_303 = tpu.vector_load %arg8[%swap3A_301, %swap3A_302] {strides = array<i32>} : memref<16x128xf32, #tpu.memory_space<vmem>>, vector<1x16xf32>,
    %swap3A_304 = vector.shape_cast %swap3A_303 : vector<1x16xf32> to vector<16xf32>
    %swap3A_305 = vector.shape_cast %broadcast_in_dim3A_0 : vector<16xf32> to vector<1x16xf32>
    tpu.vector_store %arg8[%swap3A_301, %swap3A_302], %swap3A_305 {strides = array<i32>} : memref<16x128xf32, #tpu.memory_space<vmem>>, vector<1x16xf32>,
    %swap3A_306 = arith.constant 6 : i32
    %swap3A_307 = arith.index_cast %swap3A_306 : i32 to index
    %swap3A_308 = arith.constant 48 : index
    %swap3A_309 = tpu.vector_load %arg8[%swap3A_307, %swap3A_308] {strides = array<i32>} : memref<16x128xf32, #tpu.memory_space<vmem>>, vector<1x16xf32>,
    %swap3A_310 = vector.shape_cast %swap3A_309 : vector<1x16xf32> to vector<16xf32>
    %swap3A_311 = vector.shape_cast %broadcast_in_dim3A_0 : vector<16xf32> to vector<1x16xf32>
    tpu.vector_store %arg8[%swap3A_307, %swap3A_308], %swap3A_311 {strides = array<i32>} : memref<16x128xf32, #tpu.memory_space<vmem>>, vector<1x16xf32>,
    %swap3A_312 = arith.constant 6 : i32
    %swap3A_313 = arith.index_cast %swap3A_312 : i32 to index
    %swap3A_314 = arith.constant 64 : index
    %swap3A_315 = tpu.vector_load %arg8[%swap3A_313, %swap3A_314] {strides = array<i32>} : memref<16x128xf32, #tpu.memory_space<vmem>>, vector<1x16xf32>,
    %swap3A_316 = vector.shape_cast %swap3A_315 : vector<1x16xf32> to vector<16xf32>
    %swap3A_317 = vector.shape_cast %broadcast_in_dim3A_0 : vector<16xf32> to vector<1x16xf32>
    tpu.vector_store %arg8[%swap3A_313, %swap3A_314], %swap3A_317 {strides = array<i32>} : memref<16x128xf32, #tpu.memory_space<vmem>>, vector<1x16xf32>,
    %swap3A_318 = arith.constant 6 : i32
    %swap3A_319 = arith.index_cast %swap3A_318 : i32 to index
    %swap3A_320 = arith.constant 80 : index
    %swap3A_321 = tpu.vector_load %arg8[%swap3A_319, %swap3A_320] {strides = array<i32>} : memref<16x128xf32, #tpu.memory_space<vmem>>, vector<1x16xf32>,
    %swap3A_322 = vector.shape_cast %swap3A_321 : vector<1x16xf32> to vector<16xf32>
    %swap3A_323 = vector.shape_cast %broadcast_in_dim3A_0 : vector<16xf32> to vector<1x16xf32>
    tpu.vector_store %arg8[%swap3A_319, %swap3A_320], %swap3A_323 {strides = array<i32>} : memref<16x128xf32, #tpu.memory_space<vmem>>, vector<1x16xf32>,
    %swap3A_324 = arith.constant 6 : i32
    %swap3A_325 = arith.index_cast %swap3A_324 : i32 to index
    %swap3A_326 = arith.constant 96 : index
    %swap3A_327 = tpu.vector_load %arg8[%swap3A_325, %swap3A_326] {strides = array<i32>} : memref<16x128xf32, #tpu.memory_space<vmem>>, vector<1x16xf32>,
    %swap3A_328 = vector.shape_cast %swap3A_327 : vector<1x16xf32> to vector<16xf32>
    %swap3A_329 = vector.shape_cast %broadcast_in_dim3A_0 : vector<16xf32> to vector<1x16xf32>
    tpu.vector_store %arg8[%swap3A_325, %swap3A_326], %swap3A_329 {strides = array<i32>} : memref<16x128xf32, #tpu.memory_space<vmem>>, vector<1x16xf32>,
    %swap3A_330 = arith.constant 6 : i32
    %swap3A_331 = arith.index_cast %swap3A_330 : i32 to index
    %swap3A_332 = arith.constant 112 : index
    %swap3A_333 = tpu.vector_load %arg8[%swap3A_331, %swap3A_332] {strides = array<i32>} : memref<16x128xf32, #tpu.memory_space<vmem>>, vector<1x16xf32>,
    %swap3A_334 = vector.shape_cast %swap3A_333 : vector<1x16xf32> to vector<16xf32>
    %swap3A_335 = vector.shape_cast %broadcast_in_dim3A_0 : vector<16xf32> to vector<1x16xf32>
    tpu.vector_store %arg8[%swap3A_331, %swap3A_332], %swap3A_335 {strides = array<i32>} : memref<16x128xf32, #tpu.memory_space<vmem>>, vector<1x16xf32>,
    %swap3A_336 = arith.constant 7 : i32
    %swap3A_337 = arith.index_cast %swap3A_336 : i32 to index
    %swap3A_338 = arith.constant 0 : index
    %swap3A_339 = tpu.vector_load %arg8[%swap3A_337, %swap3A_338] {strides = array<i32>} : memref<16x128xf32, #tpu.memory_space<vmem>>, vector<1x16xf32>,
    %swap3A_340 = vector.shape_cast %swap3A_339 : vector<1x16xf32> to vector<16xf32>
    %swap3A_341 = vector.shape_cast %broadcast_in_dim3A_0 : vector<16xf32> to vector<1x16xf32>
    tpu.vector_store %arg8[%swap3A_337, %swap3A_338], %swap3A_341 {strides = array<i32>} : memref<16x128xf32, #tpu.memory_space<vmem>>, vector<1x16xf32>,
    %swap3A_342 = arith.constant 7 : i32
    %swap3A_343 = arith.index_cast %swap3A_342 : i32 to index
    %swap3A_344 = arith.constant 16 : index
    %swap3A_345 = tpu.vector_load %arg8[%swap3A_343, %swap3A_344] {strides = array<i32>} : memref<16x128xf32, #tpu.memory_space<vmem>>, vector<1x16xf32>,
    %swap3A_346 = vector.shape_cast %swap3A_345 : vector<1x16xf32> to vector<16xf32>
    %swap3A_347 = vector.shape_cast %broadcast_in_dim3A_0 : vector<16xf32> to vector<1x16xf32>
    tpu.vector_store %arg8[%swap3A_343, %swap3A_344], %swap3A_347 {strides = array<i32>} : memref<16x128xf32, #tpu.memory_space<vmem>>, vector<1x16xf32>,
    %swap3A_348 = arith.constant 7 : i32
    %swap3A_349 = arith.index_cast %swap3A_348 : i32 to index
    %swap3A_350 = arith.constant 32 : index
    %swap3A_351 = tpu.vector_load %arg8[%swap3A_349, %swap3A_350] {strides = array<i32>} : memref<16x128xf32, #tpu.memory_space<vmem>>, vector<1x16xf32>,
    %swap3A_352 = vector.shape_cast %swap3A_351 : vector<1x16xf32> to vector<16xf32>
    %swap3A_353 = vector.shape_cast %broadcast_in_dim3A_0 : vector<16xf32> to vector<1x16xf32>
    tpu.vector_store %arg8[%swap3A_349, %swap3A_350], %swap3A_353 {strides = array<i32>} : memref<16x128xf32, #tpu.memory_space<vmem>>, vector<1x16xf32>,
    %swap3A_354 = arith.constant 7 : i32
    %swap3A_355 = arith.index_cast %swap3A_354 : i32 to index
    %swap3A_356 = arith.constant 48 : index
    %swap3A_357 = tpu.vector_load %arg8[%swap3A_355, %swap3A_356] {strides = array<i32>} : memref<16x128xf32, #tpu.memory_space<vmem>>, vector<1x16xf32>,
    %swap3A_358 = vector.shape_cast %swap3A_357 : vector<1x16xf32> to vector<16xf32>
    %swap3A_359 = vector.shape_cast %broadcast_in_dim3A_0 : vector<16xf32> to vector<1x16xf32>
    tpu.vector_store %arg8[%swap3A_355, %swap3A_356], %swap3A_359 {strides = array<i32>} : memref<16x128xf32, #tpu.memory_space<vmem>>, vector<1x16xf32>,
    %swap3A_360 = arith.constant 7 : i32
    %swap3A_361 = arith.index_cast %swap3A_360 : i32 to index
    %swap3A_362 = arith.constant 64 : index
    %swap3A_363 = tpu.vector_load %arg8[%swap3A_361, %swap3A_362] {strides = array<i32>} : memref<16x128xf32, #tpu.memory_space<vmem>>, vector<1x16xf32>,
    %swap3A_364 = vector.shape_cast %swap3A_363 : vector<1x16xf32> to vector<16xf32>
    %swap3A_365 = vector.shape_cast %broadcast_in_dim3A_0 : vector<16xf32> to vector<1x16xf32>
    tpu.vector_store %arg8[%swap3A_361, %swap3A_362], %swap3A_365 {strides = array<i32>} : memref<16x128xf32, #tpu.memory_space<vmem>>, vector<1x16xf32>,
    %swap3A_366 = arith.constant 7 : i32
    %swap3A_367 = arith.index_cast %swap3A_366 : i32 to index
    %swap3A_368 = arith.constant 80 : index
    %swap3A_369 = tpu.vector_load %arg8[%swap3A_367, %swap3A_368] {strides = array<i32>} : memref<16x128xf32, #tpu.memory_space<vmem>>, vector<1x16xf32>,
    %swap3A_370 = vector.shape_cast %swap3A_369 : vector<1x16xf32> to vector<16xf32>
    %swap3A_371 = vector.shape_cast %broadcast_in_dim3A_0 : vector<16xf32> to vector<1x16xf32>
    tpu.vector_store %arg8[%swap3A_367, %swap3A_368], %swap3A_371 {strides = array<i32>} : memref<16x128xf32, #tpu.memory_space<vmem>>, vector<1x16xf32>,
    %swap3A_372 = arith.constant 7 : i32
    %swap3A_373 = arith.index_cast %swap3A_372 : i32 to index
    %swap3A_374 = arith.constant 96 : index
    %swap3A_375 = tpu.vector_load %arg8[%swap3A_373, %swap3A_374] {strides = array<i32>} : memref<16x128xf32, #tpu.memory_space<vmem>>, vector<1x16xf32>,
    %swap3A_376 = vector.shape_cast %swap3A_375 : vector<1x16xf32> to vector<16xf32>
    %swap3A_377 = vector.shape_cast %broadcast_in_dim3A_0 : vector<16xf32> to vector<1x16xf32>
    tpu.vector_store %arg8[%swap3A_373, %swap3A_374], %swap3A_377 {strides = array<i32>} : memref<16x128xf32, #tpu.memory_space<vmem>>, vector<1x16xf32>,
    %swap3A_378 = arith.constant 7 : i32
    %swap3A_379 = arith.index_cast %swap3A_378 : i32 to index
    %swap3A_380 = arith.constant 112 : index
    %swap3A_381 = tpu.vector_load %arg8[%swap3A_379, %swap3A_380] {strides = array<i32>} : memref<16x128xf32, #tpu.memory_space<vmem>>, vector<1x16xf32>,
    %swap3A_382 = vector.shape_cast %swap3A_381 : vector<1x16xf32> to vector<16xf32>
    %swap3A_383 = vector.shape_cast %broadcast_in_dim3A_0 : vector<16xf32> to vector<1x16xf32>
    tpu.vector_store %arg8[%swap3A_379, %swap3A_380], %swap3A_383 {strides = array<i32>} : memref<16x128xf32, #tpu.memory_space<vmem>>, vector<1x16xf32>,
    %swap3A_384 = arith.constant 8 : i32
    %swap3A_385 = arith.index_cast %swap3A_384 : i32 to index
    %swap3A_386 = arith.constant 0 : index
    %swap3A_387 = tpu.vector_load %arg8[%swap3A_385, %swap3A_386] {strides = array<i32>} : memref<16x128xf32, #tpu.memory_space<vmem>>, vector<1x16xf32>,
    %swap3A_388 = vector.shape_cast %swap3A_387 : vector<1x16xf32> to vector<16xf32>
    %swap3A_389 = vector.shape_cast %broadcast_in_dim3A_0 : vector<16xf32> to vector<1x16xf32>
    tpu.vector_store %arg8[%swap3A_385, %swap3A_386], %swap3A_389 {strides = array<i32>} : memref<16x128xf32, #tpu.memory_space<vmem>>, vector<1x16xf32>,
    %swap3A_390 = arith.constant 8 : i32
    %swap3A_391 = arith.index_cast %swap3A_390 : i32 to index
    %swap3A_392 = arith.constant 16 : index
    %swap3A_393 = tpu.vector_load %arg8[%swap3A_391, %swap3A_392] {strides = array<i32>} : memref<16x128xf32, #tpu.memory_space<vmem>>, vector<1x16xf32>,
    %swap3A_394 = vector.shape_cast %swap3A_393 : vector<1x16xf32> to vector<16xf32>
    %swap3A_395 = vector.shape_cast %broadcast_in_dim3A_0 : vector<16xf32> to vector<1x16xf32>
    tpu.vector_store %arg8[%swap3A_391, %swap3A_392], %swap3A_395 {strides = array<i32>} : memref<16x128xf32, #tpu.memory_space<vmem>>, vector<1x16xf32>,
    %swap3A_396 = arith.constant 8 : i32
    %swap3A_397 = arith.index_cast %swap3A_396 : i32 to index
    %swap3A_398 = arith.constant 32 : index
    %swap3A_399 = tpu.vector_load %arg8[%swap3A_397, %swap3A_398] {strides = array<i32>} : memref<16x128xf32, #tpu.memory_space<vmem>>, vector<1x16xf32>,
    %swap3A_400 = vector.shape_cast %swap3A_399 : vector<1x16xf32> to vector<16xf32>
    %swap3A_401 = vector.shape_cast %broadcast_in_dim3A_0 : vector<16xf32> to vector<1x16xf32>
    tpu.vector_store %arg8[%swap3A_397, %swap3A_398], %swap3A_401 {strides = array<i32>} : memref<16x128xf32, #tpu.memory_space<vmem>>, vector<1x16xf32>,
    %swap3A_402 = arith.constant 8 : i32
    %swap3A_403 = arith.index_cast %swap3A_402 : i32 to index
    %swap3A_404 = arith.constant 48 : index
    %swap3A_405 = tpu.vector_load %arg8[%swap3A_403, %swap3A_404] {strides = array<i32>} : memref<16x128xf32, #tpu.memory_space<vmem>>, vector<1x16xf32>,
    %swap3A_406 = vector.shape_cast %swap3A_405 : vector<1x16xf32> to vector<16xf32>
    %swap3A_407 = vector.shape_cast %broadcast_in_dim3A_0 : vector<16xf32> to vector<1x16xf32>
    tpu.vector_store %arg8[%swap3A_403, %swap3A_404], %swap3A_407 {strides = array<i32>} : memref<16x128xf32, #tpu.memory_space<vmem>>, vector<1x16xf32>,
    %swap3A_408 = arith.constant 8 : i32
    %swap3A_409 = arith.index_cast %swap3A_408 : i32 to index
    %swap3A_410 = arith.constant 64 : index
    %swap3A_411 = tpu.vector_load %arg8[%swap3A_409, %swap3A_410] {strides = array<i32>} : memref<16x128xf32, #tpu.memory_space<vmem>>, vector<1x16xf32>,
    %swap3A_412 = vector.shape_cast %swap3A_411 : vector<1x16xf32> to vector<16xf32>
    %swap3A_413 = vector.shape_cast %broadcast_in_dim3A_0 : vector<16xf32> to vector<1x16xf32>
    tpu.vector_store %arg8[%swap3A_409, %swap3A_410], %swap3A_413 {strides = array<i32>} : memref<16x128xf32, #tpu.memory_space<vmem>>, vector<1x16xf32>,
    %swap3A_414 = arith.constant 8 : i32
    %swap3A_415 = arith.index_cast %swap3A_414 : i32 to index
    %swap3A_416 = arith.constant 80 : index
    %swap3A_417 = tpu.vector_load %arg8[%swap3A_415, %swap3A_416] {strides = array<i32>} : memref<16x128xf32, #tpu.memory_space<vmem>>, vector<1x16xf32>,
    %swap3A_418 = vector.shape_cast %swap3A_417 : vector<1x16xf32> to vector<16xf32>
    %swap3A_419 = vector.shape_cast %broadcast_in_dim3A_0 : vector<16xf32> to vector<1x16xf32>
    tpu.vector_store %arg8[%swap3A_415, %swap3A_416], %swap3A_419 {strides = array<i32>} : memref<16x128xf32, #tpu.memory_space<vmem>>, vector<1x16xf32>,
    %swap3A_420 = arith.constant 8 : i32
    %swap3A_421 = arith.index_cast %swap3A_420 : i32 to index
    %swap3A_422 = arith.constant 96 : index
    %swap3A_423 = tpu.vector_load %arg8[%swap3A_421, %swap3A_422] {strides = array<i32>} : memref<16x128xf32, #tpu.memory_space<vmem>>, vector<1x16xf32>,
    %swap3A_424 = vector.shape_cast %swap3A_423 : vector<1x16xf32> to vector<16xf32>
    %swap3A_425 = vector.shape_cast %broadcast_in_dim3A_0 : vector<16xf32> to vector<1x16xf32>
    tpu.vector_store %arg8[%swap3A_421, %swap3A_422], %swap3A_425 {strides = array<i32>} : memref<16x128xf32, #tpu.memory_space<vmem>>, vector<1x16xf32>,
    %swap3A_426 = arith.constant 8 : i32
    %swap3A_427 = arith.index_cast %swap3A_426 : i32 to index
    %swap3A_428 = arith.constant 112 : index
    %swap3A_429 = tpu.vector_load %arg8[%swap3A_427, %swap3A_428] {strides = array<i32>} : memref<16x128xf32, #tpu.memory_space<vmem>>, vector<1x16xf32>,
    %swap3A_430 = vector.shape_cast %swap3A_429 : vector<1x16xf32> to vector<16xf32>
    %swap3A_431 = vector.shape_cast %broadcast_in_dim3A_0 : vector<16xf32> to vector<1x16xf32>
    tpu.vector_store %arg8[%swap3A_427, %swap3A_428], %swap3A_431 {strides = array<i32>} : memref<16x128xf32, #tpu.memory_space<vmem>>, vector<1x16xf32>,
    %swap3A_432 = arith.constant 9 : i32
    %swap3A_433 = arith.index_cast %swap3A_432 : i32 to index
    %swap3A_434 = arith.constant 0 : index
    %swap3A_435 = tpu.vector_load %arg8[%swap3A_433, %swap3A_434] {strides = array<i32>} : memref<16x128xf32, #tpu.memory_space<vmem>>, vector<1x16xf32>,
    %swap3A_436 = vector.shape_cast %swap3A_435 : vector<1x16xf32> to vector<16xf32>
    %swap3A_437 = vector.shape_cast %broadcast_in_dim3A_0 : vector<16xf32> to vector<1x16xf32>
    tpu.vector_store %arg8[%swap3A_433, %swap3A_434], %swap3A_437 {strides = array<i32>} : memref<16x128xf32, #tpu.memory_space<vmem>>, vector<1x16xf32>,
    %swap3A_438 = arith.constant 9 : i32
    %swap3A_439 = arith.index_cast %swap3A_438 : i32 to index
    %swap3A_440 = arith.constant 16 : index
    %swap3A_441 = tpu.vector_load %arg8[%swap3A_439, %swap3A_440] {strides = array<i32>} : memref<16x128xf32, #tpu.memory_space<vmem>>, vector<1x16xf32>,
    %swap3A_442 = vector.shape_cast %swap3A_441 : vector<1x16xf32> to vector<16xf32>
    %swap3A_443 = vector.shape_cast %broadcast_in_dim3A_0 : vector<16xf32> to vector<1x16xf32>
    tpu.vector_store %arg8[%swap3A_439, %swap3A_440], %swap3A_443 {strides = array<i32>} : memref<16x128xf32, #tpu.memory_space<vmem>>, vector<1x16xf32>,
    %swap3A_444 = arith.constant 9 : i32
    %swap3A_445 = arith.index_cast %swap3A_444 : i32 to index
    %swap3A_446 = arith.constant 32 : index
    %swap3A_447 = tpu.vector_load %arg8[%swap3A_445, %swap3A_446] {strides = array<i32>} : memref<16x128xf32, #tpu.memory_space<vmem>>, vector<1x16xf32>,
    %swap3A_448 = vector.shape_cast %swap3A_447 : vector<1x16xf32> to vector<16xf32>
    %swap3A_449 = vector.shape_cast %broadcast_in_dim3A_0 : vector<16xf32> to vector<1x16xf32>
    tpu.vector_store %arg8[%swap3A_445, %swap3A_446], %swap3A_449 {strides = array<i32>} : memref<16x128xf32, #tpu.memory_space<vmem>>, vector<1x16xf32>,
    %swap3A_450 = arith.constant 9 : i32
    %swap3A_451 = arith.index_cast %swap3A_450 : i32 to index
    %swap3A_452 = arith.constant 48 : index
    %swap3A_453 = tpu.vector_load %arg8[%swap3A_451, %swap3A_452] {strides = array<i32>} : memref<16x128xf32, #tpu.memory_space<vmem>>, vector<1x16xf32>,
    %swap3A_454 = vector.shape_cast %swap3A_453 : vector<1x16xf32> to vector<16xf32>
    %swap3A_455 = vector.shape_cast %broadcast_in_dim3A_0 : vector<16xf32> to vector<1x16xf32>
    tpu.vector_store %arg8[%swap3A_451, %swap3A_452], %swap3A_455 {strides = array<i32>} : memref<16x128xf32, #tpu.memory_space<vmem>>, vector<1x16xf32>,
    %swap3A_456 = arith.constant 9 : i32
    %swap3A_457 = arith.index_cast %swap3A_456 : i32 to index
    %swap3A_458 = arith.constant 64 : index
    %swap3A_459 = tpu.vector_load %arg8[%swap3A_457, %swap3A_458] {strides = array<i32>} : memref<16x128xf32, #tpu.memory_space<vmem>>, vector<1x16xf32>,
    %swap3A_460 = vector.shape_cast %swap3A_459 : vector<1x16xf32> to vector<16xf32>
    %swap3A_461 = vector.shape_cast %broadcast_in_dim3A_0 : vector<16xf32> to vector<1x16xf32>
    tpu.vector_store %arg8[%swap3A_457, %swap3A_458], %swap3A_461 {strides = array<i32>} : memref<16x128xf32, #tpu.memory_space<vmem>>, vector<1x16xf32>,
    %swap3A_462 = arith.constant 9 : i32
    %swap3A_463 = arith.index_cast %swap3A_462 : i32 to index
    %swap3A_464 = arith.constant 80 : index
    %swap3A_465 = tpu.vector_load %arg8[%swap3A_463, %swap3A_464] {strides = array<i32>} : memref<16x128xf32, #tpu.memory_space<vmem>>, vector<1x16xf32>,
    %swap3A_466 = vector.shape_cast %swap3A_465 : vector<1x16xf32> to vector<16xf32>
    %swap3A_467 = vector.shape_cast %broadcast_in_dim3A_0 : vector<16xf32> to vector<1x16xf32>
    tpu.vector_store %arg8[%swap3A_463, %swap3A_464], %swap3A_467 {strides = array<i32>} : memref<16x128xf32, #tpu.memory_space<vmem>>, vector<1x16xf32>,
    %swap3A_468 = arith.constant 9 : i32
    %swap3A_469 = arith.index_cast %swap3A_468 : i32 to index
    %swap3A_470 = arith.constant 96 : index
    %swap3A_471 = tpu.vector_load %arg8[%swap3A_469, %swap3A_470] {strides = array<i32>} : memref<16x128xf32, #tpu.memory_space<vmem>>, vector<1x16xf32>,
    %swap3A_472 = vector.shape_cast %swap3A_471 : vector<1x16xf32> to vector<16xf32>
    %swap3A_473 = vector.shape_cast %broadcast_in_dim3A_0 : vector<16xf32> to vector<1x16xf32>
    tpu.vector_store %arg8[%swap3A_469, %swap3A_470], %swap3A_473 {strides = array<i32>} : memref<16x128xf32, #tpu.memory_space<vmem>>, vector<1x16xf32>,
    %swap3A_474 = arith.constant 9 : i32
    %swap3A_475 = arith.index_cast %swap3A_474 : i32 to index
    %swap3A_476 = arith.constant 112 : index
    %swap3A_477 = tpu.vector_load %arg8[%swap3A_475, %swap3A_476] {strides = array<i32>} : memref<16x128xf32, #tpu.memory_space<vmem>>, vector<1x16xf32>,
    %swap3A_478 = vector.shape_cast %swap3A_477 : vector<1x16xf32> to vector<16xf32>
    %swap3A_479 = vector.shape_cast %broadcast_in_dim3A_0 : vector<16xf32> to vector<1x16xf32>
    tpu.vector_store %arg8[%swap3A_475, %swap3A_476], %swap3A_479 {strides = array<i32>} : memref<16x128xf32, #tpu.memory_space<vmem>>, vector<1x16xf32>,
    %swap3A_480 = arith.constant 10 : i32
    %swap3A_481 = arith.index_cast %swap3A_480 : i32 to index
    %swap3A_482 = arith.constant 0 : index
    %swap3A_483 = tpu.vector_load %arg8[%swap3A_481, %swap3A_482] {strides = array<i32>} : memref<16x128xf32, #tpu.memory_space<vmem>>, vector<1x16xf32>,
    %swap3A_484 = vector.shape_cast %swap3A_483 : vector<1x16xf32> to vector<16xf32>
    %swap3A_485 = vector.shape_cast %broadcast_in_dim3A_0 : vector<16xf32> to vector<1x16xf32>
    tpu.vector_store %arg8[%swap3A_481, %swap3A_482], %swap3A_485 {strides = array<i32>} : memref<16x128xf32, #tpu.memory_space<vmem>>, vector<1x16xf32>,
    %swap3A_486 = arith.constant 10 : i32
    %swap3A_487 = arith.index_cast %swap3A_486 : i32 to index
    %swap3A_488 = arith.constant 16 : index
    %swap3A_489 = tpu.vector_load %arg8[%swap3A_487, %swap3A_488] {strides = array<i32>} : memref<16x128xf32, #tpu.memory_space<vmem>>, vector<1x16xf32>,
    %swap3A_490 = vector.shape_cast %swap3A_489 : vector<1x16xf32> to vector<16xf32>
    %swap3A_491 = vector.shape_cast %broadcast_in_dim3A_0 : vector<16xf32> to vector<1x16xf32>
    tpu.vector_store %arg8[%swap3A_487, %swap3A_488], %swap3A_491 {strides = array<i32>} : memref<16x128xf32, #tpu.memory_space<vmem>>, vector<1x16xf32>,
    %swap3A_492 = arith.constant 10 : i32
    %swap3A_493 = arith.index_cast %swap3A_492 : i32 to index
    %swap3A_494 = arith.constant 32 : index
    %swap3A_495 = tpu.vector_load %arg8[%swap3A_493, %swap3A_494] {strides = array<i32>} : memref<16x128xf32, #tpu.memory_space<vmem>>, vector<1x16xf32>,
    %swap3A_496 = vector.shape_cast %swap3A_495 : vector<1x16xf32> to vector<16xf32>
    %swap3A_497 = vector.shape_cast %broadcast_in_dim3A_0 : vector<16xf32> to vector<1x16xf32>
    tpu.vector_store %arg8[%swap3A_493, %swap3A_494], %swap3A_497 {strides = array<i32>} : memref<16x128xf32, #tpu.memory_space<vmem>>, vector<1x16xf32>,
    %swap3A_498 = arith.constant 10 : i32
    %swap3A_499 = arith.index_cast %swap3A_498 : i32 to index
    %swap3A_500 = arith.constant 48 : index
    %swap3A_501 = tpu.vector_load %arg8[%swap3A_499, %swap3A_500] {strides = array<i32>} : memref<16x128xf32, #tpu.memory_space<vmem>>, vector<1x16xf32>,
    %swap3A_502 = vector.shape_cast %swap3A_501 : vector<1x16xf32> to vector<16xf32>
    %swap3A_503 = vector.shape_cast %broadcast_in_dim3A_0 : vector<16xf32> to vector<1x16xf32>
    tpu.vector_store %arg8[%swap3A_499, %swap3A_500], %swap3A_503 {strides = array<i32>} : memref<16x128xf32, #tpu.memory_space<vmem>>, vector<1x16xf32>,
    %swap3A_504 = arith.constant 10 : i32
    %swap3A_505 = arith.index_cast %swap3A_504 : i32 to index
    %swap3A_506 = arith.constant 64 : index
    %swap3A_507 = tpu.vector_load %arg8[%swap3A_505, %swap3A_506] {strides = array<i32>} : memref<16x128xf32, #tpu.memory_space<vmem>>, vector<1x16xf32>,
    %swap3A_508 = vector.shape_cast %swap3A_507 : vector<1x16xf32> to vector<16xf32>
    %swap3A_509 = vector.shape_cast %broadcast_in_dim3A_0 : vector<16xf32> to vector<1x16xf32>
    tpu.vector_store %arg8[%swap3A_505, %swap3A_506], %swap3A_509 {strides = array<i32>} : memref<16x128xf32, #tpu.memory_space<vmem>>, vector<1x16xf32>,
    %swap3A_510 = arith.constant 10 : i32
    %swap3A_511 = arith.index_cast %swap3A_510 : i32 to index
    %swap3A_512 = arith.constant 80 : index
    %swap3A_513 = tpu.vector_load %arg8[%swap3A_511, %swap3A_512] {strides = array<i32>} : memref<16x128xf32, #tpu.memory_space<vmem>>, vector<1x16xf32>,
    %swap3A_514 = vector.shape_cast %swap3A_513 : vector<1x16xf32> to vector<16xf32>
    %swap3A_515 = vector.shape_cast %broadcast_in_dim3A_0 : vector<16xf32> to vector<1x16xf32>
    tpu.vector_store %arg8[%swap3A_511, %swap3A_512], %swap3A_515 {strides = array<i32>} : memref<16x128xf32, #tpu.memory_space<vmem>>, vector<1x16xf32>,
    %swap3A_516 = arith.constant 10 : i32
    %swap3A_517 = arith.index_cast %swap3A_516 : i32 to index
    %swap3A_518 = arith.constant 96 : index
    %swap3A_519 = tpu.vector_load %arg8[%swap3A_517, %swap3A_518] {strides = array<i32>} : memref<16x128xf32, #tpu.memory_space<vmem>>, vector<1x16xf32>,
    %swap3A_520 = vector.shape_cast %swap3A_519 : vector<1x16xf32> to vector<16xf32>
    %swap3A_521 = vector.shape_cast %broadcast_in_dim3A_0 : vector<16xf32> to vector<1x16xf32>
    tpu.vector_store %arg8[%swap3A_517, %swap3A_518], %swap3A_521 {strides = array<i32>} : memref<16x128xf32, #tpu.memory_space<vmem>>, vector<1x16xf32>,
    %swap3A_522 = arith.constant 10 : i32
    %swap3A_523 = arith.index_cast %swap3A_522 : i32 to index
    %swap3A_524 = arith.constant 112 : index
    %swap3A_525 = tpu.vector_load %arg8[%swap3A_523, %swap3A_524] {strides = array<i32>} : memref<16x128xf32, #tpu.memory_space<vmem>>, vector<1x16xf32>,
    %swap3A_526 = vector.shape_cast %swap3A_525 : vector<1x16xf32> to vector<16xf32>
    %swap3A_527 = vector.shape_cast %broadcast_in_dim3A_0 : vector<16xf32> to vector<1x16xf32>
    tpu.vector_store %arg8[%swap3A_523, %swap3A_524], %swap3A_527 {strides = array<i32>} : memref<16x128xf32, #tpu.memory_space<vmem>>, vector<1x16xf32>,
    %swap3A_528 = arith.constant 11 : i32
    %swap3A_529 = arith.index_cast %swap3A_528 : i32 to index
    %swap3A_530 = arith.constant 0 : index
    %swap3A_531 = tpu.vector_load %arg8[%swap3A_529, %swap3A_530] {strides = array<i32>} : memref<16x128xf32, #tpu.memory_space<vmem>>, vector<1x16xf32>,
    %swap3A_532 = vector.shape_cast %swap3A_531 : vector<1x16xf32> to vector<16xf32>
    %swap3A_533 = vector.shape_cast %broadcast_in_dim3A_0 : vector<16xf32> to vector<1x16xf32>
    tpu.vector_store %arg8[%swap3A_529, %swap3A_530], %swap3A_533 {strides = array<i32>} : memref<16x128xf32, #tpu.memory_space<vmem>>, vector<1x16xf32>,
    %swap3A_534 = arith.constant 11 : i32
    %swap3A_535 = arith.index_cast %swap3A_534 : i32 to index
    %swap3A_536 = arith.constant 16 : index
    %swap3A_537 = tpu.vector_load %arg8[%swap3A_535, %swap3A_536] {strides = array<i32>} : memref<16x128xf32, #tpu.memory_space<vmem>>, vector<1x16xf32>,
    %swap3A_538 = vector.shape_cast %swap3A_537 : vector<1x16xf32> to vector<16xf32>
    %swap3A_539 = vector.shape_cast %broadcast_in_dim3A_0 : vector<16xf32> to vector<1x16xf32>
    tpu.vector_store %arg8[%swap3A_535, %swap3A_536], %swap3A_539 {strides = array<i32>} : memref<16x128xf32, #tpu.memory_space<vmem>>, vector<1x16xf32>,
    %swap3A_540 = arith.constant 11 : i32
    %swap3A_541 = arith.index_cast %swap3A_540 : i32 to index
    %swap3A_542 = arith.constant 32 : index
    %swap3A_543 = tpu.vector_load %arg8[%swap3A_541, %swap3A_542] {strides = array<i32>} : memref<16x128xf32, #tpu.memory_space<vmem>>, vector<1x16xf32>,
    %swap3A_544 = vector.shape_cast %swap3A_543 : vector<1x16xf32> to vector<16xf32>
    %swap3A_545 = vector.shape_cast %broadcast_in_dim3A_0 : vector<16xf32> to vector<1x16xf32>
    tpu.vector_store %arg8[%swap3A_541, %swap3A_542], %swap3A_545 {strides = array<i32>} : memref<16x128xf32, #tpu.memory_space<vmem>>, vector<1x16xf32>,
    %swap3A_546 = arith.constant 11 : i32
    %swap3A_547 = arith.index_cast %swap3A_546 : i32 to index
    %swap3A_548 = arith.constant 48 : index
    %swap3A_549 = tpu.vector_load %arg8[%swap3A_547, %swap3A_548] {strides = array<i32>} : memref<16x128xf32, #tpu.memory_space<vmem>>, vector<1x16xf32>,
    %swap3A_550 = vector.shape_cast %swap3A_549 : vector<1x16xf32> to vector<16xf32>
    %swap3A_551 = vector.shape_cast %broadcast_in_dim3A_0 : vector<16xf32> to vector<1x16xf32>
    tpu.vector_store %arg8[%swap3A_547, %swap3A_548], %swap3A_551 {strides = array<i32>} : memref<16x128xf32, #tpu.memory_space<vmem>>, vector<1x16xf32>,
    %swap3A_552 = arith.constant 11 : i32
    %swap3A_553 = arith.index_cast %swap3A_552 : i32 to index
    %swap3A_554 = arith.constant 64 : index
    %swap3A_555 = tpu.vector_load %arg8[%swap3A_553, %swap3A_554] {strides = array<i32>} : memref<16x128xf32, #tpu.memory_space<vmem>>, vector<1x16xf32>,
    %swap3A_556 = vector.shape_cast %swap3A_555 : vector<1x16xf32> to vector<16xf32>
    %swap3A_557 = vector.shape_cast %broadcast_in_dim3A_0 : vector<16xf32> to vector<1x16xf32>
    tpu.vector_store %arg8[%swap3A_553, %swap3A_554], %swap3A_557 {strides = array<i32>} : memref<16x128xf32, #tpu.memory_space<vmem>>, vector<1x16xf32>,
    %swap3A_558 = arith.constant 11 : i32
    %swap3A_559 = arith.index_cast %swap3A_558 : i32 to index
    %swap3A_560 = arith.constant 80 : index
    %swap3A_561 = tpu.vector_load %arg8[%swap3A_559, %swap3A_560] {strides = array<i32>} : memref<16x128xf32, #tpu.memory_space<vmem>>, vector<1x16xf32>,
    %swap3A_562 = vector.shape_cast %swap3A_561 : vector<1x16xf32> to vector<16xf32>
    %swap3A_563 = vector.shape_cast %broadcast_in_dim3A_0 : vector<16xf32> to vector<1x16xf32>
    tpu.vector_store %arg8[%swap3A_559, %swap3A_560], %swap3A_563 {strides = array<i32>} : memref<16x128xf32, #tpu.memory_space<vmem>>, vector<1x16xf32>,
    %swap3A_564 = arith.constant 11 : i32
    %swap3A_565 = arith.index_cast %swap3A_564 : i32 to index
    %swap3A_566 = arith.constant 96 : index
    %swap3A_567 = tpu.vector_load %arg8[%swap3A_565, %swap3A_566] {strides = array<i32>} : memref<16x128xf32, #tpu.memory_space<vmem>>, vector<1x16xf32>,
    %swap3A_568 = vector.shape_cast %swap3A_567 : vector<1x16xf32> to vector<16xf32>
    %swap3A_569 = vector.shape_cast %broadcast_in_dim3A_0 : vector<16xf32> to vector<1x16xf32>
    tpu.vector_store %arg8[%swap3A_565, %swap3A_566], %swap3A_569 {strides = array<i32>} : memref<16x128xf32, #tpu.memory_space<vmem>>, vector<1x16xf32>,
    %swap3A_570 = arith.constant 11 : i32
    %swap3A_571 = arith.index_cast %swap3A_570 : i32 to index
    %swap3A_572 = arith.constant 112 : index
    %swap3A_573 = tpu.vector_load %arg8[%swap3A_571, %swap3A_572] {strides = array<i32>} : memref<16x128xf32, #tpu.memory_space<vmem>>, vector<1x16xf32>,
    %swap3A_574 = vector.shape_cast %swap3A_573 : vector<1x16xf32> to vector<16xf32>
    %swap3A_575 = vector.shape_cast %broadcast_in_dim3A_0 : vector<16xf32> to vector<1x16xf32>
    tpu.vector_store %arg8[%swap3A_571, %swap3A_572], %swap3A_575 {strides = array<i32>} : memref<16x128xf32, #tpu.memory_space<vmem>>, vector<1x16xf32>,
    %swap3A_576 = arith.constant 12 : i32
    %swap3A_577 = arith.index_cast %swap3A_576 : i32 to index
    %swap3A_578 = arith.constant 0 : index
    %swap3A_579 = tpu.vector_load %arg8[%swap3A_577, %swap3A_578] {strides = array<i32>} : memref<16x128xf32, #tpu.memory_space<vmem>>, vector<1x16xf32>,
    %swap3A_580 = vector.shape_cast %swap3A_579 : vector<1x16xf32> to vector<16xf32>
    %swap3A_581 = vector.shape_cast %broadcast_in_dim3A_0 : vector<16xf32> to vector<1x16xf32>
    tpu.vector_store %arg8[%swap3A_577, %swap3A_578], %swap3A_581 {strides = array<i32>} : memref<16x128xf32, #tpu.memory_space<vmem>>, vector<1x16xf32>,
    %swap3A_582 = arith.constant 12 : i32
    %swap3A_583 = arith.index_cast %swap3A_582 : i32 to index
    %swap3A_584 = arith.constant 16 : index
    %swap3A_585 = tpu.vector_load %arg8[%swap3A_583, %swap3A_584] {strides = array<i32>} : memref<16x128xf32, #tpu.memory_space<vmem>>, vector<1x16xf32>,
    %swap3A_586 = vector.shape_cast %swap3A_585 : vector<1x16xf32> to vector<16xf32>
    %swap3A_587 = vector.shape_cast %broadcast_in_dim3A_0 : vector<16xf32> to vector<1x16xf32>
    tpu.vector_store %arg8[%swap3A_583, %swap3A_584], %swap3A_587 {strides = array<i32>} : memref<16x128xf32, #tpu.memory_space<vmem>>, vector<1x16xf32>,
    %swap3A_588 = arith.constant 12 : i32
    %swap3A_589 = arith.index_cast %swap3A_588 : i32 to index
    %swap3A_590 = arith.constant 32 : index
    %swap3A_591 = tpu.vector_load %arg8[%swap3A_589, %swap3A_590] {strides = array<i32>} : memref<16x128xf32, #tpu.memory_space<vmem>>, vector<1x16xf32>,
    %swap3A_592 = vector.shape_cast %swap3A_591 : vector<1x16xf32> to vector<16xf32>
    %swap3A_593 = vector.shape_cast %broadcast_in_dim3A_0 : vector<16xf32> to vector<1x16xf32>
    tpu.vector_store %arg8[%swap3A_589, %swap3A_590], %swap3A_593 {strides = array<i32>} : memref<16x128xf32, #tpu.memory_space<vmem>>, vector<1x16xf32>,
    %swap3A_594 = arith.constant 12 : i32
    %swap3A_595 = arith.index_cast %swap3A_594 : i32 to index
    %swap3A_596 = arith.constant 48 : index
    %swap3A_597 = tpu.vector_load %arg8[%swap3A_595, %swap3A_596] {strides = array<i32>} : memref<16x128xf32, #tpu.memory_space<vmem>>, vector<1x16xf32>,
    %swap3A_598 = vector.shape_cast %swap3A_597 : vector<1x16xf32> to vector<16xf32>
    %swap3A_599 = vector.shape_cast %broadcast_in_dim3A_0 : vector<16xf32> to vector<1x16xf32>
    tpu.vector_store %arg8[%swap3A_595, %swap3A_596], %swap3A_599 {strides = array<i32>} : memref<16x128xf32, #tpu.memory_space<vmem>>, vector<1x16xf32>,
    %swap3A_600 = arith.constant 12 : i32
    %swap3A_601 = arith.index_cast %swap3A_600 : i32 to index
    %swap3A_602 = arith.constant 64 : index
    %swap3A_603 = tpu.vector_load %arg8[%swap3A_601, %swap3A_602] {strides = array<i32>} : memref<16x128xf32, #tpu.memory_space<vmem>>, vector<1x16xf32>,
    %swap3A_604 = vector.shape_cast %swap3A_603 : vector<1x16xf32> to vector<16xf32>
    %swap3A_605 = vector.shape_cast %broadcast_in_dim3A_0 : vector<16xf32> to vector<1x16xf32>
    tpu.vector_store %arg8[%swap3A_601, %swap3A_602], %swap3A_605 {strides = array<i32>} : memref<16x128xf32, #tpu.memory_space<vmem>>, vector<1x16xf32>,
    %swap3A_606 = arith.constant 12 : i32
    %swap3A_607 = arith.index_cast %swap3A_606 : i32 to index
    %swap3A_608 = arith.constant 80 : index
    %swap3A_609 = tpu.vector_load %arg8[%swap3A_607, %swap3A_608] {strides = array<i32>} : memref<16x128xf32, #tpu.memory_space<vmem>>, vector<1x16xf32>,
    %swap3A_610 = vector.shape_cast %swap3A_609 : vector<1x16xf32> to vector<16xf32>
    %swap3A_611 = vector.shape_cast %broadcast_in_dim3A_0 : vector<16xf32> to vector<1x16xf32>
    tpu.vector_store %arg8[%swap3A_607, %swap3A_608], %swap3A_611 {strides = array<i32>} : memref<16x128xf32, #tpu.memory_space<vmem>>, vector<1x16xf32>,
    %swap3A_612 = arith.constant 12 : i32
    %swap3A_613 = arith.index_cast %swap3A_612 : i32 to index
    %swap3A_614 = arith.constant 96 : index
    %swap3A_615 = tpu.vector_load %arg8[%swap3A_613, %swap3A_614] {strides = array<i32>} : memref<16x128xf32, #tpu.memory_space<vmem>>, vector<1x16xf32>,
    %swap3A_616 = vector.shape_cast %swap3A_615 : vector<1x16xf32> to vector<16xf32>
    %swap3A_617 = vector.shape_cast %broadcast_in_dim3A_0 : vector<16xf32> to vector<1x16xf32>
    tpu.vector_store %arg8[%swap3A_613, %swap3A_614], %swap3A_617 {strides = array<i32>} : memref<16x128xf32, #tpu.memory_space<vmem>>, vector<1x16xf32>,
    %swap3A_618 = arith.constant 12 : i32
    %swap3A_619 = arith.index_cast %swap3A_618 : i32 to index
    %swap3A_620 = arith.constant 112 : index
    %swap3A_621 = tpu.vector_load %arg8[%swap3A_619, %swap3A_620] {strides = array<i32>} : memref<16x128xf32, #tpu.memory_space<vmem>>, vector<1x16xf32>,
    %swap3A_622 = vector.shape_cast %swap3A_621 : vector<1x16xf32> to vector<16xf32>
    %swap3A_623 = vector.shape_cast %broadcast_in_dim3A_0 : vector<16xf32> to vector<1x16xf32>
    tpu.vector_store %arg8[%swap3A_619, %swap3A_620], %swap3A_623 {strides = array<i32>} : memref<16x128xf32, #tpu.memory_space<vmem>>, vector<1x16xf32>,
    %swap3A_624 = arith.constant 13 : i32
    %swap3A_625 = arith.index_cast %swap3A_624 : i32 to index
    %swap3A_626 = arith.constant 0 : index
    %swap3A_627 = tpu.vector_load %arg8[%swap3A_625, %swap3A_626] {strides = array<i32>} : memref<16x128xf32, #tpu.memory_space<vmem>>, vector<1x16xf32>,
    %swap3A_628 = vector.shape_cast %swap3A_627 : vector<1x16xf32> to vector<16xf32>
    %swap3A_629 = vector.shape_cast %broadcast_in_dim3A_0 : vector<16xf32> to vector<1x16xf32>
    tpu.vector_store %arg8[%swap3A_625, %swap3A_626], %swap3A_629 {strides = array<i32>} : memref<16x128xf32, #tpu.memory_space<vmem>>, vector<1x16xf32>,
    %swap3A_630 = arith.constant 13 : i32
    %swap3A_631 = arith.index_cast %swap3A_630 : i32 to index
    %swap3A_632 = arith.constant 16 : index
    %swap3A_633 = tpu.vector_load %arg8[%swap3A_631, %swap3A_632] {strides = array<i32>} : memref<16x128xf32, #tpu.memory_space<vmem>>, vector<1x16xf32>,
    %swap3A_634 = vector.shape_cast %swap3A_633 : vector<1x16xf32> to vector<16xf32>
    %swap3A_635 = vector.shape_cast %broadcast_in_dim3A_0 : vector<16xf32> to vector<1x16xf32>
    tpu.vector_store %arg8[%swap3A_631, %swap3A_632], %swap3A_635 {strides = array<i32>} : memref<16x128xf32, #tpu.memory_space<vmem>>, vector<1x16xf32>,
    %swap3A_636 = arith.constant 13 : i32
    %swap3A_637 = arith.index_cast %swap3A_636 : i32 to index
    %swap3A_638 = arith.constant 32 : index
    %swap3A_639 = tpu.vector_load %arg8[%swap3A_637, %swap3A_638] {strides = array<i32>} : memref<16x128xf32, #tpu.memory_space<vmem>>, vector<1x16xf32>,
    %swap3A_640 = vector.shape_cast %swap3A_639 : vector<1x16xf32> to vector<16xf32>
    %swap3A_641 = vector.shape_cast %broadcast_in_dim3A_0 : vector<16xf32> to vector<1x16xf32>
    tpu.vector_store %arg8[%swap3A_637, %swap3A_638], %swap3A_641 {strides = array<i32>} : memref<16x128xf32, #tpu.memory_space<vmem>>, vector<1x16xf32>,
    %swap3A_642 = arith.constant 13 : i32
    %swap3A_643 = arith.index_cast %swap3A_642 : i32 to index
    %swap3A_644 = arith.constant 48 : index
    %swap3A_645 = tpu.vector_load %arg8[%swap3A_643, %swap3A_644] {strides = array<i32>} : memref<16x128xf32, #tpu.memory_space<vmem>>, vector<1x16xf32>,
    %swap3A_646 = vector.shape_cast %swap3A_645 : vector<1x16xf32> to vector<16xf32>
    %swap3A_647 = vector.shape_cast %broadcast_in_dim3A_0 : vector<16xf32> to vector<1x16xf32>
    tpu.vector_store %arg8[%swap3A_643, %swap3A_644], %swap3A_647 {strides = array<i32>} : memref<16x128xf32, #tpu.memory_space<vmem>>, vector<1x16xf32>,
    %swap3A_648 = arith.constant 13 : i32
    %swap3A_649 = arith.index_cast %swap3A_648 : i32 to index
    %swap3A_650 = arith.constant 64 : index
    %swap3A_651 = tpu.vector_load %arg8[%swap3A_649, %swap3A_650] {strides = array<i32>} : memref<16x128xf32, #tpu.memory_space<vmem>>, vector<1x16xf32>,
    %swap3A_652 = vector.shape_cast %swap3A_651 : vector<1x16xf32> to vector<16xf32>
    %swap3A_653 = vector.shape_cast %broadcast_in_dim3A_0 : vector<16xf32> to vector<1x16xf32>
    tpu.vector_store %arg8[%swap3A_649, %swap3A_650], %swap3A_653 {strides = array<i32>} : memref<16x128xf32, #tpu.memory_space<vmem>>, vector<1x16xf32>,
    %swap3A_654 = arith.constant 13 : i32
    %swap3A_655 = arith.index_cast %swap3A_654 : i32 to index
    %swap3A_656 = arith.constant 80 : index
    %swap3A_657 = tpu.vector_load %arg8[%swap3A_655, %swap3A_656] {strides = array<i32>} : memref<16x128xf32, #tpu.memory_space<vmem>>, vector<1x16xf32>,
    %swap3A_658 = vector.shape_cast %swap3A_657 : vector<1x16xf32> to vector<16xf32>
    %swap3A_659 = vector.shape_cast %broadcast_in_dim3A_0 : vector<16xf32> to vector<1x16xf32>
    tpu.vector_store %arg8[%swap3A_655, %swap3A_656], %swap3A_659 {strides = array<i32>} : memref<16x128xf32, #tpu.memory_space<vmem>>, vector<1x16xf32>,
    %swap3A_660 = arith.constant 13 : i32
    %swap3A_661 = arith.index_cast %swap3A_660 : i32 to index
    %swap3A_662 = arith.constant 96 : index
    %swap3A_663 = tpu.vector_load %arg8[%swap3A_661, %swap3A_662] {strides = array<i32>} : memref<16x128xf32, #tpu.memory_space<vmem>>, vector<1x16xf32>,
    %swap3A_664 = vector.shape_cast %swap3A_663 : vector<1x16xf32> to vector<16xf32>
    %swap3A_665 = vector.shape_cast %broadcast_in_dim3A_0 : vector<16xf32> to vector<1x16xf32>
    tpu.vector_store %arg8[%swap3A_661, %swap3A_662], %swap3A_665 {strides = array<i32>} : memref<16x128xf32, #tpu.memory_space<vmem>>, vector<1x16xf32>,
    %swap3A_666 = arith.constant 13 : i32
    %swap3A_667 = arith.index_cast %swap3A_666 : i32 to index
    %swap3A_668 = arith.constant 112 : index
    %swap3A_669 = tpu.vector_load %arg8[%swap3A_667, %swap3A_668] {strides = array<i32>} : memref<16x128xf32, #tpu.memory_space<vmem>>, vector<1x16xf32>,
    %swap3A_670 = vector.shape_cast %swap3A_669 : vector<1x16xf32> to vector<16xf32>
    %swap3A_671 = vector.shape_cast %broadcast_in_dim3A_0 : vector<16xf32> to vector<1x16xf32>
    tpu.vector_store %arg8[%swap3A_667, %swap3A_668], %swap3A_671 {strides = array<i32>} : memref<16x128xf32, #tpu.memory_space<vmem>>, vector<1x16xf32>,
    %swap3A_672 = arith.constant 14 : i32
    %swap3A_673 = arith.index_cast %swap3A_672 : i32 to index
    %swap3A_674 = arith.constant 0 : index
    %swap3A_675 = tpu.vector_load %arg8[%swap3A_673, %swap3A_674] {strides = array<i32>} : memref<16x128xf32, #tpu.memory_space<vmem>>, vector<1x16xf32>,
    %swap3A_676 = vector.shape_cast %swap3A_675 : vector<1x16xf32> to vector<16xf32>
    %swap3A_677 = vector.shape_cast %broadcast_in_dim3A_0 : vector<16xf32> to vector<1x16xf32>
    tpu.vector_store %arg8[%swap3A_673, %swap3A_674], %swap3A_677 {strides = array<i32>} : memref<16x128xf32, #tpu.memory_space<vmem>>, vector<1x16xf32>,
    %swap3A_678 = arith.constant 14 : i32
    %swap3A_679 = arith.index_cast %swap3A_678 : i32 to index
    %swap3A_680 = arith.constant 16 : index
    %swap3A_681 = tpu.vector_load %arg8[%swap3A_679, %swap3A_680] {strides = array<i32>} : memref<16x128xf32, #tpu.memory_space<vmem>>, vector<1x16xf32>,
    %swap3A_682 = vector.shape_cast %swap3A_681 : vector<1x16xf32> to vector<16xf32>
    %swap3A_683 = vector.shape_cast %broadcast_in_dim3A_0 : vector<16xf32> to vector<1x16xf32>
    tpu.vector_store %arg8[%swap3A_679, %swap3A_680], %swap3A_683 {strides = array<i32>} : memref<16x128xf32, #tpu.memory_space<vmem>>, vector<1x16xf32>,
    %swap3A_684 = arith.constant 14 : i32
    %swap3A_685 = arith.index_cast %swap3A_684 : i32 to index
    %swap3A_686 = arith.constant 32 : index
    %swap3A_687 = tpu.vector_load %arg8[%swap3A_685, %swap3A_686] {strides = array<i32>} : memref<16x128xf32, #tpu.memory_space<vmem>>, vector<1x16xf32>,
    %swap3A_688 = vector.shape_cast %swap3A_687 : vector<1x16xf32> to vector<16xf32>
    %swap3A_689 = vector.shape_cast %broadcast_in_dim3A_0 : vector<16xf32> to vector<1x16xf32>
    tpu.vector_store %arg8[%swap3A_685, %swap3A_686], %swap3A_689 {strides = array<i32>} : memref<16x128xf32, #tpu.memory_space<vmem>>, vector<1x16xf32>,
    %swap3A_690 = arith.constant 14 : i32
    %swap3A_691 = arith.index_cast %swap3A_690 : i32 to index
    %swap3A_692 = arith.constant 48 : index
    %swap3A_693 = tpu.vector_load %arg8[%swap3A_691, %swap3A_692] {strides = array<i32>} : memref<16x128xf32, #tpu.memory_space<vmem>>, vector<1x16xf32>,
    %swap3A_694 = vector.shape_cast %swap3A_693 : vector<1x16xf32> to vector<16xf32>
    %swap3A_695 = vector.shape_cast %broadcast_in_dim3A_0 : vector<16xf32> to vector<1x16xf32>
    tpu.vector_store %arg8[%swap3A_691, %swap3A_692], %swap3A_695 {strides = array<i32>} : memref<16x128xf32, #tpu.memory_space<vmem>>, vector<1x16xf32>,
    %swap3A_696 = arith.constant 14 : i32
    %swap3A_697 = arith.index_cast %swap3A_696 : i32 to index
    %swap3A_698 = arith.constant 64 : index
    %swap3A_699 = tpu.vector_load %arg8[%swap3A_697, %swap3A_698] {strides = array<i32>} : memref<16x128xf32, #tpu.memory_space<vmem>>, vector<1x16xf32>,
    %swap3A_700 = vector.shape_cast %swap3A_699 : vector<1x16xf32> to vector<16xf32>
    %swap3A_701 = vector.shape_cast %broadcast_in_dim3A_0 : vector<16xf32> to vector<1x16xf32>
    tpu.vector_store %arg8[%swap3A_697, %swap3A_698], %swap3A_701 {strides = array<i32>} : memref<16x128xf32, #tpu.memory_space<vmem>>, vector<1x16xf32>,
    %swap3A_702 = arith.constant 14 : i32
    %swap3A_703 = arith.index_cast %swap3A_702 : i32 to index
    %swap3A_704 = arith.constant 80 : index
    %swap3A_705 = tpu.vector_load %arg8[%swap3A_703, %swap3A_704] {strides = array<i32>} : memref<16x128xf32, #tpu.memory_space<vmem>>, vector<1x16xf32>,
    %swap3A_706 = vector.shape_cast %swap3A_705 : vector<1x16xf32> to vector<16xf32>
    %swap3A_707 = vector.shape_cast %broadcast_in_dim3A_0 : vector<16xf32> to vector<1x16xf32>
    tpu.vector_store %arg8[%swap3A_703, %swap3A_704], %swap3A_707 {strides = array<i32>} : memref<16x128xf32, #tpu.memory_space<vmem>>, vector<1x16xf32>,
    %swap3A_708 = arith.constant 14 : i32
    %swap3A_709 = arith.index_cast %swap3A_708 : i32 to index
    %swap3A_710 = arith.constant 96 : index
    %swap3A_711 = tpu.vector_load %arg8[%swap3A_709, %swap3A_710] {strides = array<i32>} : memref<16x128xf32, #tpu.memory_space<vmem>>, vector<1x16xf32>,
    %swap3A_712 = vector.shape_cast %swap3A_711 : vector<1x16xf32> to vector<16xf32>
    %swap3A_713 = vector.shape_cast %broadcast_in_dim3A_0 : vector<16xf32> to vector<1x16xf32>
    tpu.vector_store %arg8[%swap3A_709, %swap3A_710], %swap3A_713 {strides = array<i32>} : memref<16x128xf32, #tpu.memory_space<vmem>>, vector<1x16xf32>,
    %swap3A_714 = arith.constant 14 : i32
    %swap3A_715 = arith.index_cast %swap3A_714 : i32 to index
    %swap3A_716 = arith.constant 112 : index
    %swap3A_717 = tpu.vector_load %arg8[%swap3A_715, %swap3A_716] {strides = array<i32>} : memref<16x128xf32, #tpu.memory_space<vmem>>, vector<1x16xf32>,
    %swap3A_718 = vector.shape_cast %swap3A_717 : vector<1x16xf32> to vector<16xf32>
    %swap3A_719 = vector.shape_cast %broadcast_in_dim3A_0 : vector<16xf32> to vector<1x16xf32>
    tpu.vector_store %arg8[%swap3A_715, %swap3A_716], %swap3A_719 {strides = array<i32>} : memref<16x128xf32, #tpu.memory_space<vmem>>, vector<1x16xf32>,
    %swap3A_720 = arith.constant 15 : i32
    %swap3A_721 = arith.index_cast %swap3A_720 : i32 to index
    %swap3A_722 = arith.constant 0 : index
    %swap3A_723 = tpu.vector_load %arg8[%swap3A_721, %swap3A_722] {strides = array<i32>} : memref<16x128xf32, #tpu.memory_space<vmem>>, vector<1x16xf32>,
    %swap3A_724 = vector.shape_cast %swap3A_723 : vector<1x16xf32> to vector<16xf32>
    %swap3A_725 = vector.shape_cast %broadcast_in_dim3A_0 : vector<16xf32> to vector<1x16xf32>
    tpu.vector_store %arg8[%swap3A_721, %swap3A_722], %swap3A_725 {strides = array<i32>} : memref<16x128xf32, #tpu.memory_space<vmem>>, vector<1x16xf32>,
    %swap3A_726 = arith.constant 15 : i32
    %swap3A_727 = arith.index_cast %swap3A_726 : i32 to index
    %swap3A_728 = arith.constant 16 : index
    %swap3A_729 = tpu.vector_load %arg8[%swap3A_727, %swap3A_728] {strides = array<i32>} : memref<16x128xf32, #tpu.memory_space<vmem>>, vector<1x16xf32>,
    %swap3A_730 = vector.shape_cast %swap3A_729 : vector<1x16xf32> to vector<16xf32>
    %swap3A_731 = vector.shape_cast %broadcast_in_dim3A_0 : vector<16xf32> to vector<1x16xf32>
    tpu.vector_store %arg8[%swap3A_727, %swap3A_728], %swap3A_731 {strides = array<i32>} : memref<16x128xf32, #tpu.memory_space<vmem>>, vector<1x16xf32>,
    %swap3A_732 = arith.constant 15 : i32
    %swap3A_733 = arith.index_cast %swap3A_732 : i32 to index
    %swap3A_734 = arith.constant 32 : index
    %swap3A_735 = tpu.vector_load %arg8[%swap3A_733, %swap3A_734] {strides = array<i32>} : memref<16x128xf32, #tpu.memory_space<vmem>>, vector<1x16xf32>,
    %swap3A_736 = vector.shape_cast %swap3A_735 : vector<1x16xf32> to vector<16xf32>
    %swap3A_737 = vector.shape_cast %broadcast_in_dim3A_0 : vector<16xf32> to vector<1x16xf32>
    tpu.vector_store %arg8[%swap3A_733, %swap3A_734], %swap3A_737 {strides = array<i32>} : memref<16x128xf32, #tpu.memory_space<vmem>>, vector<1x16xf32>,
    %swap3A_738 = arith.constant 15 : i32
    %swap3A_739 = arith.index_cast %swap3A_738 : i32 to index
    %swap3A_740 = arith.constant 48 : index
    %swap3A_741 = tpu.vector_load %arg8[%swap3A_739, %swap3A_740] {strides = array<i32>} : memref<16x128xf32, #tpu.memory_space<vmem>>, vector<1x16xf32>,
    %swap3A_742 = vector.shape_cast %swap3A_741 : vector<1x16xf32> to vector<16xf32>
    %swap3A_743 = vector.shape_cast %broadcast_in_dim3A_0 : vector<16xf32> to vector<1x16xf32>
    tpu.vector_store %arg8[%swap3A_739, %swap3A_740], %swap3A_743 {strides = array<i32>} : memref<16x128xf32, #tpu.memory_space<vmem>>, vector<1x16xf32>,
    %swap3A_744 = arith.constant 15 : i32
    %swap3A_745 = arith.index_cast %swap3A_744 : i32 to index
    %swap3A_746 = arith.constant 64 : index
    %swap3A_747 = tpu.vector_load %arg8[%swap3A_745, %swap3A_746] {strides = array<i32>} : memref<16x128xf32, #tpu.memory_space<vmem>>, vector<1x16xf32>,
    %swap3A_748 = vector.shape_cast %swap3A_747 : vector<1x16xf32> to vector<16xf32>
    %swap3A_749 = vector.shape_cast %broadcast_in_dim3A_0 : vector<16xf32> to vector<1x16xf32>
    tpu.vector_store %arg8[%swap3A_745, %swap3A_746], %swap3A_749 {strides = array<i32>} : memref<16x128xf32, #tpu.memory_space<vmem>>, vector<1x16xf32>,
    %swap3A_750 = arith.constant 15 : i32
    %swap3A_751 = arith.index_cast %swap3A_750 : i32 to index
    %swap3A_752 = arith.constant 80 : index
    %swap3A_753 = tpu.vector_load %arg8[%swap3A_751, %swap3A_752] {strides = array<i32>} : memref<16x128xf32, #tpu.memory_space<vmem>>, vector<1x16xf32>,
    %swap3A_754 = vector.shape_cast %swap3A_753 : vector<1x16xf32> to vector<16xf32>
    %swap3A_755 = vector.shape_cast %broadcast_in_dim3A_0 : vector<16xf32> to vector<1x16xf32>
    tpu.vector_store %arg8[%swap3A_751, %swap3A_752], %swap3A_755 {strides = array<i32>} : memref<16x128xf32, #tpu.memory_space<vmem>>, vector<1x16xf32>,
    %swap3A_756 = arith.constant 15 : i32
    %swap3A_757 = arith.index_cast %swap3A_756 : i32 to index
    %swap3A_758 = arith.constant 96 : index
    %swap3A_759 = tpu.vector_load %arg8[%swap3A_757, %swap3A_758] {strides = array<i32>} : memref<16x128xf32, #tpu.memory_space<vmem>>, vector<1x16xf32>,
    %swap3A_760 = vector.shape_cast %swap3A_759 : vector<1x16xf32> to vector<16xf32>
    %swap3A_761 = vector.shape_cast %broadcast_in_dim3A_0 : vector<16xf32> to vector<1x16xf32>
    tpu.vector_store %arg8[%swap3A_757, %swap3A_758], %swap3A_761 {strides = array<i32>} : memref<16x128xf32, #tpu.memory_space<vmem>>, vector<1x16xf32>,
    %swap3A_762 = arith.constant 15 : i32
    %swap3A_763 = arith.index_cast %swap3A_762 : i32 to index
    %swap3A_764 = arith.constant 112 : index
    %swap3A_765 = tpu.vector_load %arg8[%swap3A_763, %swap3A_764] {strides = array<i32>} : memref<16x128xf32, #tpu.memory_space<vmem>>, vector<1x16xf32>,
    %swap3A_766 = vector.shape_cast %swap3A_765 : vector<1x16xf32> to vector<16xf32>
    %swap3A_767 = vector.shape_cast %broadcast_in_dim3A_0 : vector<16xf32> to vector<1x16xf32>
    tpu.vector_store %arg8[%swap3A_763, %swap3A_764], %swap3A_767 {strides = array<i32>} : memref<16x128xf32, #tpu.memory_space<vmem>>, vector<1x16xf32>,
    "tpu.region"() ({
      %run_scoped3A = tpu.sem_alloc : memref<!tpu.dma_semaphore, #tpu.memory_space<semaphore_mem>>
      tpu.enqueue_dma source(%arg2 : memref<128x128xf32, #tpu.memory_space<hbm>>) target(%arg7 : memref<128x128xf32, #tpu.memory_space<vmem>>) target_semaphore(%run_scoped3A : memref<!tpu.dma_semaphore, #tpu.memory_space<semaphore_mem>>)
      tpu.wait_dma2 semaphore(%run_scoped3A : memref<!tpu.dma_semaphore, #tpu.memory_space<semaphore_mem>>) src(%arg2 : memref<128x128xf32, #tpu.memory_space<hbm>>) dst(%arg7 : memref<128x128xf32, #tpu.memory_space<vmem>>)
      tpu.yield
    }) : () -> ()
    %scan3A = arith.constant 0 : i32
    %scan3A_768 = arith.constant 0 : i32
    %scan3A_769 = arith.constant 40 : i32
    %scan3A_770 = arith.addi %scan3A_768, %scan3A_769 : i32
    %scan3A_771 = arith.constant 1 : i32
    scf.for %scan3A_787 = %scan3A_768 to %scan3A_770 step %scan3A_771  : i32 {
      %mul3A_788 = arith.constant 640 : i32
      %mul3A_789 = arith.muli %arg1, %mul3A_788 : i32
      %mul3A_790 = arith.constant 16 : i32
      %mul3A_791 = arith.muli %scan3A_787, %mul3A_790 : i32
      %add3A = arith.addi %mul3A_789, %mul3A_791 : i32
      "tpu.region"() ({
        %run_scoped3A = tpu.sem_alloc : memref<!tpu.dma_semaphore, #tpu.memory_space<semaphore_mem>>
        %dma_start3A = arith.constant 0 : i32
        %dma_start3A_792 = tpu.memref_slice %arg5[%add3A, %dma_start3A] : memref<10240x128xf32, #tpu.memory_space<vmem_shared>> -> memref<16x128xf32, #tpu.memory_space<vmem_shared>>
        %dma_start3A_793 = arith.constant 0 : i32
        %dma_start3A_794 = tpu.memref_slice %arg5[%add3A, %dma_start3A_793] : memref<10240x128xf32, #tpu.memory_space<vmem_shared>> -> memref<16x128xf32, #tpu.memory_space<vmem_shared>>
        tpu.enqueue_dma source(%arg8 : memref<16x128xf32, #tpu.memory_space<vmem>>) target(%dma_start3A_794 : memref<16x128xf32, #tpu.memory_space<vmem_shared>>) target_semaphore(%run_scoped3A : memref<!tpu.dma_semaphore, #tpu.memory_space<semaphore_mem>>)
        %dma_wait3A = arith.constant 0 : i32
        %dma_wait3A_795 = tpu.memref_slice %arg5[%add3A, %dma_wait3A] : memref<10240x128xf32, #tpu.memory_space<vmem_shared>> -> memref<16x128xf32, #tpu.memory_space<vmem_shared>>
        %dma_wait3A_796 = arith.constant 0 : i32
        %dma_wait3A_797 = tpu.memref_slice %arg5[%add3A, %dma_wait3A_796] : memref<10240x128xf32, #tpu.memory_space<vmem_shared>> -> memref<16x128xf32, #tpu.memory_space<vmem_shared>>
        tpu.wait_dma2 semaphore(%run_scoped3A : memref<!tpu.dma_semaphore, #tpu.memory_space<semaphore_mem>>) src(%arg8 : memref<16x128xf32, #tpu.memory_space<vmem>>) dst(%dma_wait3A_797 : memref<16x128xf32, #tpu.memory_space<vmem_shared>>)
        tpu.yield
      }) : () -> ()
    }
    %scan3A_772 = arith.constant 40 : i32
    %barrier3A = arith.constant 0 : index
    tpu.barrier barrier_id(%barrier3A)
    %scan3A_773 = arith.constant 0 : i32
    %scan3A_774 = arith.constant 0 : i32
    %scan3A_775 = arith.constant 10 : i32
    %scan3A_776 = arith.addi %scan3A_774, %scan3A_775 : i32
    %scan3A_777 = arith.constant 1 : i32
    scf.for %scan3A_787 = %scan3A_774 to %scan3A_776 step %scan3A_777  : i32 {
      %mul3A_788 = arith.constant 2560 : i32
      %mul3A_789 = arith.muli %arg0, %mul3A_788 : i32
      %mul3A_790 = arith.constant 160 : i32
      %mul3A_791 = arith.muli %arg1, %mul3A_790 : i32
      %add3A = arith.addi %mul3A_789, %mul3A_791 : i32
      %mul3A_792 = arith.constant 16 : i32
      %mul3A_793 = arith.muli %scan3A_787, %mul3A_792 : i32
      %add3A_794 = arith.addi %add3A, %mul3A_793 : i32
      "tpu.region"() ({
        %run_scoped3A = tpu.sem_alloc : memref<!tpu.dma_semaphore, #tpu.memory_space<semaphore_mem>>
        %dma_start3A = arith.constant 0 : i32
        %dma_start3A_801 = tpu.memref_slice %arg3[%add3A_794, %dma_start3A] : memref<5120x128xi32, #tpu.memory_space<hbm>> -> memref<16x128xi32, #tpu.memory_space<hbm>>
        %dma_start3A_802 = arith.constant 0 : i32
        %dma_start3A_803 = tpu.memref_slice %arg3[%add3A_794, %dma_start3A_802] : memref<5120x128xi32, #tpu.memory_space<hbm>> -> memref<16x128xi32, #tpu.memory_space<hbm>>
        tpu.enqueue_dma source(%dma_start3A_803 : memref<16x128xi32, #tpu.memory_space<hbm>>) target(%arg6 : memref<16x128xi32, #tpu.memory_space<vmem>>) target_semaphore(%run_scoped3A : memref<!tpu.dma_semaphore, #tpu.memory_space<semaphore_mem>>)
        %dma_wait3A = arith.constant 0 : i32
        %dma_wait3A_804 = tpu.memref_slice %arg3[%add3A_794, %dma_wait3A] : memref<5120x128xi32, #tpu.memory_space<hbm>> -> memref<16x128xi32, #tpu.memory_space<hbm>>
        %dma_wait3A_805 = arith.constant 0 : i32
        %dma_wait3A_806 = tpu.memref_slice %arg3[%add3A_794, %dma_wait3A_805] : memref<5120x128xi32, #tpu.memory_space<hbm>> -> memref<16x128xi32, #tpu.memory_space<hbm>>
        tpu.wait_dma2 semaphore(%run_scoped3A : memref<!tpu.dma_semaphore, #tpu.memory_space<semaphore_mem>>) src(%dma_wait3A_806 : memref<16x128xi32, #tpu.memory_space<hbm>>) dst(%arg6 : memref<16x128xi32, #tpu.memory_space<vmem>>)
        tpu.yield
      }) : () -> ()
      %scan3A_795 = arith.constant 0 : i32
      %scan3A_796 = arith.constant 0 : i32
      %scan3A_797 = arith.constant 16 : i32
      %scan3A_798 = arith.addi %scan3A_796, %scan3A_797 : i32
      %scan3A_799 = arith.constant 1 : i32
      scf.for %scan3A_801 = %scan3A_796 to %scan3A_798 step %scan3A_799  : i32 {
        "tpu.region"() ({
          %run_scoped3A = tpu.sem_alloc : memref<!tpu.dma_semaphore, #tpu.memory_space<semaphore_mem>>
          %dma_start3A = arith.constant 0 : i32
          %dma_start3A_802 = tpu.memref_slice %arg6[%scan3A_801, %dma_start3A] : memref<16x128xi32, #tpu.memory_space<vmem>> -> memref<1x128xi32, #tpu.memory_space<vmem>>
          %dma_start3A_803 = tpu.memref_squeeze %dma_start3A_802 : memref<1x128xi32, #tpu.memory_space<vmem>> -> memref<128xi32, #tpu.memory_space<vmem>>
          %dma_start3A_804 = arith.constant 0 : i32
          %dma_start3A_805 = arith.constant 0 : i32
          %dma_start3A_806 = tpu.memref_slice %arg5[%dma_start3A_804, %dma_start3A_805] : memref<10240x128xf32, #tpu.memory_space<vmem_shared>> -> memref<10240x128xf32, #tpu.memory_space<vmem_shared>>
          tpu.enqueue_indirect_dma source(%arg7 : memref<128x128xf32, #tpu.memory_space<vmem>>) target(%dma_start3A_806 : memref<10240x128xf32, #tpu.memory_space<vmem_shared>>) offsets(%dma_start3A_803 : memref<128xi32, #tpu.memory_space<vmem>>) semaphore(%run_scoped3A : memref<!tpu.dma_semaphore, #tpu.memory_space<semaphore_mem>>) {add = true}
          %dma_wait3A = arith.constant 0 : i32
          %dma_wait3A_807 = tpu.memref_slice %arg6[%scan3A_801, %dma_wait3A] : memref<16x128xi32, #tpu.memory_space<vmem>> -> memref<1x128xi32, #tpu.memory_space<vmem>>
          %dma_wait3A_808 = tpu.memref_squeeze %dma_wait3A_807 : memref<1x128xi32, #tpu.memory_space<vmem>> -> memref<128xi32, #tpu.memory_space<vmem>>
          %dma_wait3A_809 = arith.constant 0 : i32
          %dma_wait3A_810 = arith.constant 0 : i32
          %dma_wait3A_811 = tpu.memref_slice %arg5[%dma_wait3A_809, %dma_wait3A_810] : memref<10240x128xf32, #tpu.memory_space<vmem_shared>> -> memref<10240x128xf32, #tpu.memory_space<vmem_shared>>
          tpu.wait_indirect_dma semaphore(%run_scoped3A : memref<!tpu.dma_semaphore, #tpu.memory_space<semaphore_mem>>) src(%arg7 : memref<128x128xf32, #tpu.memory_space<vmem>>) dst(%dma_wait3A_811 : memref<10240x128xf32, #tpu.memory_space<vmem_shared>>)
          tpu.yield
        }) : () -> ()
      }
      %scan3A_800 = arith.constant 16 : i32
    }
    %scan3A_778 = arith.constant 10 : i32
    %barrier3A_779 = arith.constant 0 : index
    tpu.barrier barrier_id(%barrier3A_779)
    %mul3A = arith.constant 640 : i32
    %mul3A_780 = arith.muli %arg1, %mul3A : i32
    %scan3A_781 = arith.constant 0 : i32
    %scan3A_782 = arith.constant 0 : i32
    %scan3A_783 = arith.constant 5 : i32
    %scan3A_784 = arith.addi %scan3A_782, %scan3A_783 : i32
    %scan3A_785 = arith.constant 1 : i32
    scf.for %scan3A_787 = %scan3A_782 to %scan3A_784 step %scan3A_785  : i32 {
      %mul3A_788 = arith.constant 128 : i32
      %mul3A_789 = arith.muli %scan3A_787, %mul3A_788 : i32
      %add3A = arith.addi %mul3A_780, %mul3A_789 : i32
      "tpu.region"() ({
        %run_scoped3A = tpu.sem_alloc : memref<!tpu.dma_semaphore, #tpu.memory_space<semaphore_mem>>
        %dma_start3A = arith.constant 0 : i32
        %dma_start3A_793 = tpu.memref_slice %arg5[%add3A, %dma_start3A] : memref<10240x128xf32, #tpu.memory_space<vmem_shared>> -> memref<128x128xf32, #tpu.memory_space<vmem_shared>>
        %dma_start3A_794 = arith.constant 0 : i32
        %dma_start3A_795 = tpu.memref_slice %arg5[%add3A, %dma_start3A_794] : memref<10240x128xf32, #tpu.memory_space<vmem_shared>> -> memref<128x128xf32, #tpu.memory_space<vmem_shared>>
        tpu.enqueue_dma source(%dma_start3A_795 : memref<128x128xf32, #tpu.memory_space<vmem_shared>>) target(%arg7 : memref<128x128xf32, #tpu.memory_space<vmem>>) target_semaphore(%run_scoped3A : memref<!tpu.dma_semaphore, #tpu.memory_space<semaphore_mem>>)
        %dma_wait3A = arith.constant 0 : i32
        %dma_wait3A_796 = tpu.memref_slice %arg5[%add3A, %dma_wait3A] : memref<10240x128xf32, #tpu.memory_space<vmem_shared>> -> memref<128x128xf32, #tpu.memory_space<vmem_shared>>
        %dma_wait3A_797 = arith.constant 0 : i32
        %dma_wait3A_798 = tpu.memref_slice %arg5[%add3A, %dma_wait3A_797] : memref<10240x128xf32, #tpu.memory_space<vmem_shared>> -> memref<128x128xf32, #tpu.memory_space<vmem_shared>>
        tpu.wait_dma2 semaphore(%run_scoped3A : memref<!tpu.dma_semaphore, #tpu.memory_space<semaphore_mem>>) src(%dma_wait3A_798 : memref<128x128xf32, #tpu.memory_space<vmem_shared>>) dst(%arg7 : memref<128x128xf32, #tpu.memory_space<vmem>>)
        tpu.yield
      }) : () -> ()
      %mul3A_790 = arith.constant 128 : i32
      %mul3A_791 = arith.muli %scan3A_787, %mul3A_790 : i32
      %add3A_792 = arith.addi %mul3A_780, %mul3A_791 : i32
      "tpu.region"() ({
        %run_scoped3A = tpu.sem_alloc : memref<!tpu.dma_semaphore, #tpu.memory_space<semaphore_mem>>
        %dma_start3A = arith.constant 0 : i32
        %dma_start3A_793 = arith.constant 0 : i32
        %dma_start3A_794 = tpu.memref_slice %arg4[%arg0, %dma_start3A, %dma_start3A_793] : memref<2x10240x128xf32, #tpu.memory_space<hbm>> -> memref<1x10240x128xf32, #tpu.memory_space<hbm>>
        %dma_start3A_795 = tpu.memref_squeeze %dma_start3A_794 : memref<1x10240x128xf32, #tpu.memory_space<hbm>> -> memref<10240x128xf32, #tpu.memory_space<hbm>>
        %dma_start3A_796 = arith.constant 0 : i32
        %dma_start3A_797 = tpu.memref_slice %dma_start3A_795[%add3A_792, %dma_start3A_796] : memref<10240x128xf32, #tpu.memory_space<hbm>> -> memref<128x128xf32, #tpu.memory_space<hbm>>
        %dma_start3A_798 = arith.constant 0 : i32
        %dma_start3A_799 = arith.constant 0 : i32
        %dma_start3A_800 = tpu.memref_slice %arg4[%arg0, %dma_start3A_798, %dma_start3A_799] : memref<2x10240x128xf32, #tpu.memory_space<hbm>> -> memref<1x10240x128xf32, #tpu.memory_space<hbm>>
        %dma_start3A_801 = tpu.memref_squeeze %dma_start3A_800 : memref<1x10240x128xf32, #tpu.memory_space<hbm>> -> memref<10240x128xf32, #tpu.memory_space<hbm>>
        %dma_start3A_802 = arith.constant 0 : i32
        %dma_start3A_803 = tpu.memref_slice %dma_start3A_801[%add3A_792, %dma_start3A_802] : memref<10240x128xf32, #tpu.memory_space<hbm>> -> memref<128x128xf32, #tpu.memory_space<hbm>>
        tpu.enqueue_dma source(%arg7 : memref<128x128xf32, #tpu.memory_space<vmem>>) target(%dma_start3A_803 : memref<128x128xf32, #tpu.memory_space<hbm>>) target_semaphore(%run_scoped3A : memref<!tpu.dma_semaphore, #tpu.memory_space<semaphore_mem>>)
        %dma_wait3A = arith.constant 0 : i32
        %dma_wait3A_804 = arith.constant 0 : i32
        %dma_wait3A_805 = tpu.memref_slice %arg4[%arg0, %dma_wait3A, %dma_wait3A_804] : memref<2x10240x128xf32, #tpu.memory_space<hbm>> -> memref<1x10240x128xf32, #tpu.memory_space<hbm>>
        %dma_wait3A_806 = tpu.memref_squeeze %dma_wait3A_805 : memref<1x10240x128xf32, #tpu.memory_space<hbm>> -> memref<10240x128xf32, #tpu.memory_space<hbm>>
        %dma_wait3A_807 = arith.constant 0 : i32
        %dma_wait3A_808 = tpu.memref_slice %dma_wait3A_806[%add3A_792, %dma_wait3A_807] : memref<10240x128xf32, #tpu.memory_space<hbm>> -> memref<128x128xf32, #tpu.memory_space<hbm>>
        %dma_wait3A_809 = arith.constant 0 : i32
        %dma_wait3A_810 = arith.constant 0 : i32
        %dma_wait3A_811 = tpu.memref_slice %arg4[%arg0, %dma_wait3A_809, %dma_wait3A_810] : memref<2x10240x128xf32, #tpu.memory_space<hbm>> -> memref<1x10240x128xf32, #tpu.memory_space<hbm>>
        %dma_wait3A_812 = tpu.memref_squeeze %dma_wait3A_811 : memref<1x10240x128xf32, #tpu.memory_space<hbm>> -> memref<10240x128xf32, #tpu.memory_space<hbm>>
        %dma_wait3A_813 = arith.constant 0 : i32
        %dma_wait3A_814 = tpu.memref_slice %dma_wait3A_812[%add3A_792, %dma_wait3A_813] : memref<10240x128xf32, #tpu.memory_space<hbm>> -> memref<128x128xf32, #tpu.memory_space<hbm>>
        tpu.wait_dma2 semaphore(%run_scoped3A : memref<!tpu.dma_semaphore, #tpu.memory_space<semaphore_mem>>) src(%arg7 : memref<128x128xf32, #tpu.memory_space<vmem>>) dst(%dma_wait3A_814 : memref<128x128xf32, #tpu.memory_space<hbm>>)
        tpu.yield
      }) : () -> ()
    }
    %scan3A_786 = arith.constant 5 : i32
    return
  }
}

</mosaic_0001>

<sc_bundles>
// kernel: _sc_cnt.3.cloned.1.call-start
scs
__scs_entry_jumppad:
0x0: {  	(pc) =	sbr.rel $0x88, $3  }
0x1: {  	(tag) =	ssettag $0x0;
	lr =	simm.s32 $0x1  }
0x2: {  	[smem:$0x3F9F] =	sst lr;
	_ =	strace $0xD0000000  }
0x3: {  	_ = 	snop  }
0x4: {  	_ = 	snop  }
0x5: {  	_ = 	snop  }
0x6: {  	_ = 	snop  }
0x7: {  	_ = 	snop  }
__scs_overlays_trampoline_lowered:
0x8: {  	[smem:$0x3FAE] =	sst s0  }
0x9: {  	[smem:$0x3FAF] =	sst s1  }
0xa: {  	[smem:$0x3FB0] =	sst s2  }
0xb: {  	[smem:$0x3FB1] =	sst s3  }
0xc: {  	[smem:$0x3FB2] =	sst s4  }
0xd: {  	[smem:$0x3FB3] =	sst s5  }
0xe: {  	[smem:$0x3FB4] =	sst s6  }
0xf: {  	[smem:$0x3FB5] =	sst s7  }
0x10: {  	[smem:$0x3FB6] =	sst s8  }
0x11: {  	[smem:$0x3FB7] =	sst s9;
	s0 =	simm.s32 @!p0 $0x0  }
0x12: {  	s1 =	sld [smem:$0x3F9D];
	s0 =	simm.s32 @p0 $0x1  }
0x13: {  	[smem:$0x3FB8] =	sst s0;
	s0 =	simm.s32 @!p1 $0x0  }
0x14: {  	s2 =	sld [smem:$0x3F9C];
	s0 =	simm.s32 @p1 $0x1  }
0x15: {  	[smem:$0x3FB9] =	sst s0;
	s0 =	simm.s32 @!p2 $0x0  }
0x16: {  	s3 =	sld [smem:$0x3FDB];
	s0 =	simm.s32 @p2 $0x1  }
0x17: {  	s4 =	simm.s32 $0x1BF5;
	[smem:$0x3FBB] =	sst s0  }
0x18: {  	s0 =	sld [smem:$0x3F9E];
	_ =	swait.ge [sflag:s4], $0x0  }
0x19: {  	s7 =	sld [smem:$0x3F9F]  }
0x1a: {  	s8 =	sadd.s32 $0xFFFFE003, lr  }
0x1b: {  	s9 =	sadd.s32 $0xFFFFFEF7, lr;
	s5 =	simm.s32 $0xFFFFFFFF;
	p2 =	slt.u32 s8, $0xFFFFF086  }
0x1c: {  	p1 =	slt.u32 s9, $0xF7A;
	s5 =	simm.s32 @!p2 $0x0  }
0x1d: {  	s5 =	simm.s32 @p1 $0x1;
	p0 =	seq.s32 s7, s2  }
0x1e: {  	s7 =	smul.u32 @!p0 $0xF7A, s2;
	p2 =	seq.s32 @!p0 s5, $0x0  }
0x1f: {  	s9 =	smul.u32 $0xF7A, s1;
	s8 =	simm.s32 @!p0 $0x1BF5;
	p2 =	por !p2, p0  }
0x20: {  	[sflag:s8] =	ssyncset.s32 @!p0 $0xFFFFF086;
	s6 =	sadd.s32 @!p0 s3, s7;
	s7 =	simm.s32 @!p0 $0x108  }
0x21: {  	s3 =	sadd.s32 s3, s9;
	s6 =	sadd.s32 @!p0 $0x88, s6;
	s7 =	simm.s32 @p2 $0x1082  }
0x22: {  	[simem:s7], [sflag:s8] =	dma.local @!p0 [hbm:s6], $0xF7A  }
0x23: {  	s9 =	sor.u32 $0xD0000000, s2;
	s6 =	simm.s32 $0x108;
	_ =	swait.ge @!p0 [sflag:s8], $0x0  }
0x24: {  	s3 =	sadd.s32 $0x88, s3;
	s6 =	simm.s32 @!p1 $0x1082;
	[sflag:s4] =	ssyncset.s32 $0xFFFFF086  }
0x25: {  	[simem:s6], [sflag:s4] =	dma.local [hbm:s3], $0xF7A  }
0x26: {  	[smem:$0x3F9F] =	sst s1;
	(tag) =	ssettag s2;
	_ =	strace s9  }
0x27: {  	s1 =	sld [smem:$0x3FAF]  }
0x28: {  	s2 =	sld [smem:$0x3FB0]  }
0x29: {  	s4 =	sld [smem:$0x3FB2]  }
0x2a: {  	p0 =	seq.s32 s5, $0x0;
	s5 =	sld [smem:$0x3FB3]  }
0x2b: {  	s6 =	sld [smem:$0x3FB4]  }
0x2c: {  	s7 =	sld [smem:$0x3FB5]  }
0x2d: {  	s3 =	simm.s32 $0x108;
	s8 =	sld [smem:$0x3FB6]  }
0x2e: {  	s3 =	simm.s32 @!p0 $0x1082;
	s9 =	sld [smem:$0x3FB7]  }
0x2f: {  	lr =	sadd.s32 s0, s3;
	s0 =	sld [smem:$0x3FAE]  }
0x30: {  	s3 =	sld [smem:$0x3FB1]  }
0x31: {  	[smem:$0x3FBA] =	sst s10  }
0x32: {  	s10 =	sld [smem:$0x3FB8];
	_ =	sdelay $0x3  }
0x33: {  	p0 =	seq.s32 s10, $0x1;
	s10 =	sld [smem:$0x3FBA];
	_ =	sdelay $0x3  }
0x34: {  	[smem:$0x3FBA] =	sst s10  }
0x35: {  	s10 =	sld [smem:$0x3FB9];
	_ =	sdelay $0x3  }
0x36: {  	p1 =	seq.s32 s10, $0x1;
	s10 =	sld [smem:$0x3FBA];
	_ =	sdelay $0x3  }
0x37: {  	[smem:$0x3FBA] =	sst s10  }
0x38: {  	s10 =	sld [smem:$0x3FBB]  }
0x39: {  	_ = 	snop;
	(pc) =	sbr.ind lr, $3  }
0x3a: {  	_ = 	snop  }
0x3b: {  	_ = 	snop  }
0x3c: {  	p2 =	seq.s32 s10, $0x1;
	s10 =	sld [smem:$0x3FBA]  }
0x3d: {  	_ =	shalt  }
0x3e: {  	_ =	shalt  }
0x3f: {  	_ =	shalt  }
0x40: {  	_ =	shalt  }
0x41: {  	_ =	shalt  }
0x42: {  	_ =	shalt  }
0x43: {  	_ =	shalt  }
0x44: {  	_ =	shalt  }
0x45: {  	_ =	shalt  }
0x46: {  	_ =	shalt  }
0x47: {  	_ =	shalt  }
0x48: {  	_ =	shalt  }
0x49: {  	_ =	shalt  }
0x4a: {  	_ =	shalt  }
0x4b: {  	_ =	shalt  }
0x4c: {  	_ =	shalt  }
0x4d: {  	_ =	shalt  }
0x4e: {  	_ =	shalt  }
0x4f: {  	_ =	shalt  }
0x50: {  	_ =	shalt  }
0x51: {  	_ =	shalt  }
0x52: {  	_ =	shalt  }
0x53: {  	_ =	shalt  }
0x54: {  	_ =	shalt  }
0x55: {  	_ =	shalt  }
0x56: {  	_ =	shalt  }
0x57: {  	_ =	shalt  }
0x58: {  	_ =	shalt  }
0x59: {  	_ =	shalt  }
0x5a: {  	_ =	shalt  }
0x5b: {  	_ =	shalt  }
0x5c: {  	_ =	shalt  }
0x5d: {  	_ =	shalt  }
0x5e: {  	_ =	shalt  }
0x5f: {  	_ =	shalt  }
0x60: {  	_ =	shalt  }
0x61: {  	_ =	shalt  }
0x62: {  	_ =	shalt  }
0x63: {  	_ =	shalt  }
0x64: {  	_ =	shalt  }
0x65: {  	_ =	shalt  }
0x66: {  	_ =	shalt  }
0x67: {  	_ =	shalt  }
0x68: {  	_ =	shalt  }
0x69: {  	_ =	shalt  }
0x6a: {  	_ =	shalt  }
0x6b: {  	_ =	shalt  }
0x6c: {  	_ =	shalt  }
0x6d: {  	_ =	shalt  }
0x6e: {  	_ =	shalt  }
0x6f: {  	_ =	shalt  }
0x70: {  	_ =	shalt  }
0x71: {  	_ =	shalt  }
0x72: {  	_ =	shalt  }
0x73: {  	_ =	shalt  }
0x74: {  	_ =	shalt  }
0x75: {  	_ =	shalt  }
0x76: {  	_ =	shalt  }
0x77: {  	_ =	shalt  }
0x78: {  	_ =	shalt  }
0x79: {  	_ =	shalt  }
0x7a: {  	_ =	shalt  }
0x7b: {  	_ =	shalt  }
0x7c: {  	_ =	shalt  }
0x7d: {  	_ =	shalt  }
0x7e: {  	_ =	shalt  }
0x7f: {  	_ =	shalt  }
0x80: {  	_ =	shalt  }
0x81: {  	_ =	shalt  }
0x82: {  	_ =	shalt  }
0x83: {  	_ =	shalt  }
0x84: {  	_ =	shalt  }
0x85: {  	_ =	shalt  }
0x86: {  	_ =	shalt  }
0x87: {  	_ =	shalt  }
.Lfunc_end0:
.L_simem_size_0:
called_computation_lowered:
.L_overlay_start_0:
0x88: {  	s2 =	sld [smem:$0x3FD9]  }
0x89: {  	s3 =	sld [smem:$0x3FFE];
	_ =	sdelay $0x1  }
0x8a: {  	s1 =	srdreg.scid  }
0x8b: {  	s0 =	sand.u32 $0x1, s1  }
0x8c: {  	s18 =	sshll.u32 s0, $0xA;
	s2 =	sadd.s32 s3, s2  }
0x8d: {  	s2 =	sadd.s32 s2, s18  }
0x8e: {  	[smem:$0x3FC6] =	sst s2  }
0x8f: {  	_ = 	snop  }
0x90: {  	s2 =	sld [smem:$0x3FC9]  }
0x91: {  	s19 =	sld [smem:$0x3FC8]  }
0x92: {  	s4 =	sld [smem:$0x3FD0];
	(tm) =	ssettm $0x1  }
0x93: {  	s5 =	sld [smem:$0x3FFB];
	_ =	sdelay $0x3  }
0x94: {  	_ =	strace s5  }
0x95: {  	s5 =	sld [smem:$0x3FFC];
	_ =	sdelay $0x3  }
0x96: {  	_ =	strace s5  }
0x97: {  	s5 =	sld [smem:$0x3FFD];
	_ =	sdelay $0x3  }
0x98: {  	_ =	strace s5  }
0x99: {  	_ =	strace $0x8FFFFFFF  }
0x9a: {  	s20 =	sld [smem:$0x3FDB];
	_ =	sdelay $0x1  }
0x9b: {  	s6 =	simm.s32 $_scs_section_size  }
0x9c: {  	s7 =	simm.s32 $_size__tile_overlayer_lowered;
	s8 =	simm.s32 $_tile_overlayer_lowered  }
0x9d: {  	s23 =	simm.s32 $0x1BFF;
	s22 =	sshll.u32 s8, $0x1;
	s5 =	sadd.s32 s6, s20  }
0x9e: {  	s9 =	simm.s32 $0x0;
	s21 =	sshll.u32 s7, $0x1;
	s7 =	sadd.s32 s22, s5  }
0x9f: {  	[timem:s9], [sflag:s23] =	dma.local [hbm:s7], s21  }
0xa0: {  	_ =	swait.ge [sflag:s23], s21  }
0xa1: {  	s6 =	ssub.s32 $0x0, s21;
	[sflag:s23] =	ssyncset.done $0x0  }
0xa2: {  	[sflag:s23] =	ssyncadd.s32 s6;
	_ =	sdelay $0x1  }
0xa3: {  	s24 =	simm.s32 $0x1B8B  }
0xa4: {  	_ =	swait.ge [sflag:s24], $0x1  }
0xa5: {  	[sflag:s24] =	ssyncset.done $0x0  }
0xa6: {  	s25 =	simm.s32 $0x1B8E;
	[sflag:s24] =	ssyncadd.s32 $0xFFFFFFFF  }
0xa7: {  	s26 =	simm.s32 $execute0_lowered;
	[smem:$0x3FD2] =	sst s25  }
0xa8: {  	s6 =	sshll.u32 s26, $0x1;
	_ =	strace $0x80000046;
	[dreg:$0x1] =	wrdreg $0xFFFFFFFF  }
0xa9: {  	s28 =	simm.s32 $_size_execute0_lowered;
	s5 =	sadd.s32 s5, s6;
	[dreg:$0x0] =	wrdreg $0x0  }
0xaa: {  	s6 =	sshll.u32 s28, $0x1;
	[dreg:$0x2] =	wrdreg s5  }
0xab: {  	[dreg:$0x3] =	wrdreg s6  }
0xac: {  	[dreg:$0x4] =	wrdreg $0xC0  }
0xad: {  	_ =	task [dreg:s9], $0x5FFFF  }
0xae: {  	[dreg:$0x1] =	wrdreg $0xFFFFFFFF  }
0xaf: {  	[dreg:$0x0] =	wrdreg $0x60  }
0xb0: {  	[dreg:$0x2] =	wrdreg s2  }
0xb1: {  	[dreg:$0x3] =	wrdreg s19  }
0xb2: {  	[dreg:$0x4] =	wrdreg s4  }
0xb3: {  	[dreg:$0x5] =	wrdreg $0x0  }
0xb4: {  	[dreg:$0x6] =	wrdreg $0x9  }
0xb5: {  	_ =	task.clear_ibuf [dreg:s9], $0x7FFFF;
	_ =	strace $0x90000046  }
0xb6: {  	s29 =	simm.s32 $0x9;
	_ =	strace $0x80000048  }
0xb7: {  	_ =	swait.ge [sflag:s29], $0x1  }
0xb8: {  	[sflag:s29] =	ssyncadd.s32 $0xFFFFFFFF  }
0xb9: {  	_ =	strace $0x90000048  }
0xba: {  	_ =	sfence  }
0xbb: {  	s30 =	sld [smem:$0x0];
	_ =	sdelay $0x2  }
0xbc: {  	s31 =	sshll.u32 s1, $0xD;
	s1 =	sshrl.u32 s1, $0x2  }
0xbd: {  	s3 =	sand.u32 $0x4000, s31;
	s1 =	sadd.s32 s1, s30  }
0xbe: {  	s0 =	sor.u32 s3, s0;
	s1 =	sshll.u32 s1, $0x11  }
0xbf: {  	s0 =	sor.u32 s1, s0  }
0xc0: {  	s0 =	sadd.s32 $0x8F2B, s0  }
0xc1: {  	[sflag:s0] =	ssyncadd.remote.s32 $0x1  }
0xc2: {  	_ =	sfence.sel $0xFFFF  }
0xc3: {  	[dreg:$0x0] =	wrdreg $0xFFFFFFFF;
	(pc) =	sbr.abs _section_cstart, $3  }
0xc4: {  	[dreg:$0x1] =	wrdreg $0xFFFFFFFF  }
0xc5: {  	_ =	task.clear_ibuf [dreg:s9], $0x2FFFF;
	_ =	strace $0x9FFFFFFF  }
0xc6: {  	(tm) =	ssettm $0x7FFFFFFF  }
0xc7: {  	_ =	shalt  }
tec
execute0_lowered:
.L_overlay_start_1:
0x0: {  	(tag) =	ssettag $0x1  }
0x1: {  	s0 =	rddreg [dreg:$0x1]  }
0x2: {  	s1 =	rddreg [dreg:$0x2]  }
0x3: {  	s3 =	rddreg [dreg:$0x3];
	s4 =	simm.s32 $0x0;
	s2 =	srdreg.scid  }
0x4: {  	s11 =	stileid.u32;
	s12 =	simm.s32 $0x14800;
	s13 =	simm.s32 $0x1  }
0x5: {  	s14 =	simm.s32 $0x18800;
	s15 =	simm.s32 $0x14000;
	s5 =	smul.u32 $0x50000, s11  }
0x6: {  	s28 =	simm.s32 $0x14300;
	s29 =	simm.s32 $0x14380;
	s7 =	smul.u32 $0x280, s11  }
0x7: {  	s30 =	simm.s32 $0x14400;
	s31 =	simm.s32 $0x14480;
	s16 =	smul.u32 $0xA00, s11  }
0x8: {  	[smem:$0x7FF] =	sst s4;
	s2 =	sand.u32 $0x1, s2;
	s20 =	smul.u32 $0x2800, s11  }
0x9: {  	_ =	strace $0x80000047;
	s6 =	ssub.s32 $0x2, s2;
	s9 =	smul.u32 $0x28000, s2  }
0xa: {  	s2 =	smul.u32 $0xA000, s2;
	s8 =	sshrl.u32 s6, $0x1;
	s5 =	sshrl.u32 s5, $0x2  }
0xb: {  	s17 =	sadd.s32 $0x80, s7;
	s10 =	sadd.s32 $0x100, s7;
	s21 =	sadd.s32 $0x180, s7  }
0xc: {  	s7 =	sadd.s32 $0x200, s7;
	s6 =	ssub.s32 s6, s8;
	s5 =	sadd.s32 s5, s3  }
0xd: {  	s1 =	sadd.s32 s1, s9;
	s18 =	sshll.u32 s17, $0x7;
	s19 =	sshll.u32 s10, $0x7  }
0xe: {  	s9 =	sshll.u32 s17, $0x4;
	s10 =	sshll.u32 s10, $0x4;
	s22 =	sshll.u32 s21, $0x7  }
0xf: {  	s23 =	sshll.u32 s7, $0x7;
	s7 =	sshll.u32 s7, $0x4;
	s0 =	sadd.s32 s2, s0  }
0x10: {  	s17 =	simm.s32 $0x14080;
	s2 =	simm.s32 $0x14580;
	s6 =	smax.u32 s6, $0x1  }
0x11: {  	s8 =	simm.s32 $0x14780;
	s11 =	sadd.s32 s22, s3;
	[dreg:$0x5] =	wrdreg s6  }
0x12: {  	s24 =	sadd.s32 s20, s1;
	s25 =	sadd.s32 s9, s1;
	[dreg:$0x8] =	wrdreg s11  }
0x13: {  	s26 =	sadd.s32 s10, s1;
	s9 =	simm.s32 $0x0;
	[dreg:$0xa] =	wrdreg s24  }
0x14: {  	s6 =	sadd.s32 s18, s3;
	s11 =	sadd.s32 s23, s3;
	[dreg:$0xb] =	wrdreg s25  }
0x15: {  	s18 =	simm.s32 $0x14100;
	[dreg:$0xc] =	wrdreg s26;
	s24 =	sadd.s32 s7, s1  }
0x16: {  	s25 =	simm.s32 $0x14200;
	s26 =	simm.s32 $0x14280;
	[dreg:$0x6] =	wrdreg s6  }
0x17: {  	s7 =	simm.s32 $0x14700;
	s6 =	sadd.s32 s19, s3;
	[dreg:$0x9] =	wrdreg s11  }
0x18: {  	s11 =	sadd.s32 s16, s0;
	s16 =	simm.s32 $0x80;
	s19 =	simm.s32 $0x14180  }
0x19: {  	s0 =	simm.s32 $0x14500;
	[dreg:$0x7] =	wrdreg s6;
	s6 =	sshll.u32 s21, $0x4  }
0x1a: {  	v0 =	vimm.f32 $0.0e+00;
	s23 =	sadd.s32 s6, s1;
	s1 =	simm.s32 $0x14600;
	s6 =	simm.s32 $0x14680  }
.LBB2_1:
0x1b: {  	[tilespmem:$0x18800] =	vst v0  }
0x1c: {  	[tilespmem:$0x18810] =	vst v0  }
0x1d: {  	[tilespmem:$0x18820] =	vst v0  }
0x1e: {  	[tilespmem:$0x18830] =	vst v0  }
0x1f: {  	[tilespmem:$0x18840] =	vst v0  }
0x20: {  	[tilespmem:$0x18850] =	vst v0  }
0x21: {  	[tilespmem:$0x18860] =	vst v0  }
0x22: {  	[tilespmem:$0x18870] =	vst v0  }
0x23: {  	[tilespmem:$0x18880] =	vst v0  }
0x24: {  	[tilespmem:$0x18890] =	vst v0  }
0x25: {  	[tilespmem:$0x188A0] =	vst v0  }
0x26: {  	[tilespmem:$0x188B0] =	vst v0  }
0x27: {  	[tilespmem:$0x188C0] =	vst v0  }
0x28: {  	[tilespmem:$0x188D0] =	vst v0  }
0x29: {  	[tilespmem:$0x188E0] =	vst v0  }
0x2a: {  	[tilespmem:$0x188F0] =	vst v0  }
0x2b: {  	[tilespmem:$0x18900] =	vst v0  }
0x2c: {  	[tilespmem:$0x18910] =	vst v0  }
0x2d: {  	[tilespmem:$0x18920] =	vst v0  }
0x2e: {  	[tilespmem:$0x18930] =	vst v0  }
0x2f: {  	[tilespmem:$0x18940] =	vst v0  }
0x30: {  	[tilespmem:$0x18950] =	vst v0  }
0x31: {  	[tilespmem:$0x18960] =	vst v0  }
0x32: {  	[tilespmem:$0x18970] =	vst v0  }
0x33: {  	[tilespmem:$0x18980] =	vst v0  }
0x34: {  	[tilespmem:$0x18990] =	vst v0  }
0x35: {  	[tilespmem:$0x189A0] =	vst v0  }
0x36: {  	[tilespmem:$0x189B0] =	vst v0  }
0x37: {  	[tilespmem:$0x189C0] =	vst v0  }
0x38: {  	[tilespmem:$0x189D0] =	vst v0  }
0x39: {  	[tilespmem:$0x189E0] =	vst v0  }
0x3a: {  	[tilespmem:$0x189F0] =	vst v0  }
0x3b: {  	[tilespmem:$0x18A00] =	vst v0  }
0x3c: {  	[tilespmem:$0x18A10] =	vst v0  }
0x3d: {  	[tilespmem:$0x18A20] =	vst v0  }
0x3e: {  	[tilespmem:$0x18A30] =	vst v0  }
0x3f: {  	[tilespmem:$0x18A40] =	vst v0  }
0x40: {  	[tilespmem:$0x18A50] =	vst v0  }
0x41: {  	[tilespmem:$0x18A60] =	vst v0  }
0x42: {  	[tilespmem:$0x18A70] =	vst v0  }
0x43: {  	[tilespmem:$0x18A80] =	vst v0  }
0x44: {  	[tilespmem:$0x18A90] =	vst v0  }
0x45: {  	[tilespmem:$0x18AA0] =	vst v0  }
0x46: {  	[tilespmem:$0x18AB0] =	vst v0  }
0x47: {  	[tilespmem:$0x18AC0] =	vst v0  }
0x48: {  	[tilespmem:$0x18AD0] =	vst v0  }
0x49: {  	[tilespmem:$0x18AE0] =	vst v0  }
0x4a: {  	[tilespmem:$0x18AF0] =	vst v0  }
0x4b: {  	[tilespmem:$0x18B00] =	vst v0  }
0x4c: {  	[tilespmem:$0x18B10] =	vst v0  }
0x4d: {  	[tilespmem:$0x18B20] =	vst v0  }
0x4e: {  	[tilespmem:$0x18B30] =	vst v0  }
0x4f: {  	[tilespmem:$0x18B40] =	vst v0  }
0x50: {  	[tilespmem:$0x18B50] =	vst v0  }
0x51: {  	[tilespmem:$0x18B60] =	vst v0  }
0x52: {  	[tilespmem:$0x18B70] =	vst v0  }
0x53: {  	[tilespmem:$0x18B80] =	vst v0  }
0x54: {  	[tilespmem:$0x18B90] =	vst v0  }
0x55: {  	[tilespmem:$0x18BA0] =	vst v0  }
0x56: {  	[tilespmem:$0x18BB0] =	vst v0  }
0x57: {  	[tilespmem:$0x18BC0] =	vst v0  }
0x58: {  	[tilespmem:$0x18BD0] =	vst v0  }
0x59: {  	[tilespmem:$0x18BE0] =	vst v0  }
0x5a: {  	[tilespmem:$0x18BF0] =	vst v0  }
0x5b: {  	[tilespmem:$0x18C00] =	vst v0  }
0x5c: {  	[tilespmem:$0x18C10] =	vst v0  }
0x5d: {  	[tilespmem:$0x18C20] =	vst v0  }
0x5e: {  	[tilespmem:$0x18C30] =	vst v0  }
0x5f: {  	[tilespmem:$0x18C40] =	vst v0  }
0x60: {  	[tilespmem:$0x18C50] =	vst v0  }
0x61: {  	[tilespmem:$0x18C60] =	vst v0  }
0x62: {  	[tilespmem:$0x18C70] =	vst v0  }
0x63: {  	[tilespmem:$0x18C80] =	vst v0  }
0x64: {  	[tilespmem:$0x18C90] =	vst v0  }
0x65: {  	[tilespmem:$0x18CA0] =	vst v0  }
0x66: {  	[tilespmem:$0x18CB0] =	vst v0  }
0x67: {  	[tilespmem:$0x18CC0] =	vst v0  }
0x68: {  	[tilespmem:$0x18CD0] =	vst v0  }
0x69: {  	[tilespmem:$0x18CE0] =	vst v0  }
0x6a: {  	[tilespmem:$0x18CF0] =	vst v0  }
0x6b: {  	[tilespmem:$0x18D00] =	vst v0  }
0x6c: {  	[tilespmem:$0x18D10] =	vst v0  }
0x6d: {  	[tilespmem:$0x18D20] =	vst v0  }
0x6e: {  	[tilespmem:$0x18D30] =	vst v0  }
0x6f: {  	[tilespmem:$0x18D40] =	vst v0  }
0x70: {  	[tilespmem:$0x18D50] =	vst v0  }
0x71: {  	[tilespmem:$0x18D60] =	vst v0  }
0x72: {  	[tilespmem:$0x18D70] =	vst v0  }
0x73: {  	[tilespmem:$0x18D80] =	vst v0  }
0x74: {  	[tilespmem:$0x18D90] =	vst v0  }
0x75: {  	[tilespmem:$0x18DA0] =	vst v0  }
0x76: {  	[tilespmem:$0x18DB0] =	vst v0  }
0x77: {  	[tilespmem:$0x18DC0] =	vst v0  }
0x78: {  	[tilespmem:$0x18DD0] =	vst v0  }
0x79: {  	[tilespmem:$0x18DE0] =	vst v0  }
0x7a: {  	[tilespmem:$0x18DF0] =	vst v0  }
0x7b: {  	[tilespmem:$0x18E00] =	vst v0  }
0x7c: {  	[tilespmem:$0x18E10] =	vst v0  }
0x7d: {  	[tilespmem:$0x18E20] =	vst v0  }
0x7e: {  	[tilespmem:$0x18E30] =	vst v0  }
0x7f: {  	[tilespmem:$0x18E40] =	vst v0  }
0x80: {  	[tilespmem:$0x18E50] =	vst v0  }
0x81: {  	[tilespmem:$0x18E60] =	vst v0  }
0x82: {  	[tilespmem:$0x18E70] =	vst v0  }
0x83: {  	[tilespmem:$0x18E80] =	vst v0  }
0x84: {  	[tilespmem:$0x18E90] =	vst v0  }
0x85: {  	[tilespmem:$0x18EA0] =	vst v0  }
0x86: {  	[tilespmem:$0x18EB0] =	vst v0  }
0x87: {  	[tilespmem:$0x18EC0] =	vst v0  }
0x88: {  	[tilespmem:$0x18ED0] =	vst v0  }
0x89: {  	[tilespmem:$0x18EE0] =	vst v0  }
0x8a: {  	[tilespmem:$0x18EF0] =	vst v0  }
0x8b: {  	[tilespmem:$0x18F00] =	vst v0  }
0x8c: {  	[tilespmem:$0x18F10] =	vst v0  }
0x8d: {  	[tilespmem:$0x18F20] =	vst v0  }
0x8e: {  	[tilespmem:$0x18F30] =	vst v0  }
0x8f: {  	[tilespmem:$0x18F40] =	vst v0  }
0x90: {  	[tilespmem:$0x18F50] =	vst v0  }
0x91: {  	[tilespmem:$0x18F60] =	vst v0  }
0x92: {  	[tilespmem:$0x18F70] =	vst v0  }
0x93: {  	[tilespmem:$0x18F80] =	vst v0  }
0x94: {  	[tilespmem:$0x18F90] =	vst v0  }
0x95: {  	[tilespmem:$0x18FA0] =	vst v0  }
0x96: {  	[tilespmem:$0x18FB0] =	vst v0  }
0x97: {  	[tilespmem:$0x18FC0] =	vst v0  }
0x98: {  	[tilespmem:$0x18FD0] =	vst v0  }
0x99: {  	[tilespmem:$0x18FE0] =	vst v0  }
0x9a: {  	[tilespmem:$0x18FF0] =	vst v0;
	s10 =	rddreg [dreg:$0x0]  }
0x9b: {  	[tilespmem:s12], [sflag:$0x1] =	stream.linear.gather [hbm4b:s10+s4], $0x4000, $0x38;
	[tilespmem:$0x19000] =	vst v63  }
0x9c: {  	_ =	swait.ge [sflag:s13], $0x4000  }
0x9d: {  	[sflag:s13] =	ssyncset.done $0x0  }
0x9e: {  	s22 =	sadd.s32 $0x0, s5;
	[sflag:s13] =	ssyncadd.s32 $0xFFFFC000  }
0x9f: {  	[spmem:s22] =	stream.linear.scatter [tilespmem:s14], [sflag:$0x1], $0x800, $0x38;
	[tilespmem:$0x19000] =	vst v63  }
0xa0: {  	s10 =	simm.s32 $0x2000;
	_ =	swait.ge [sflag:s13], $0x800  }
.LBB2_2:
0xa1: {  	s20 =	sshra.s32 s10, $0x2;
	[sflag:s13] =	ssyncset.done $0x0;
	p0 =	sne.s32 s10, $0x4E000  }
.Ltmp0:
0xa2: {  	s20 =	sadd.s32 s20, s5;
	[sflag:s13] =	ssyncadd.s32 $0xFFFFF800;
	(pc) =	sbr.rel @p0 .LBB2_2-.Ltmp0, $3  }
0xa3: {  	[spmem:s20] =	stream.linear.scatter [tilespmem:s14], [sflag:$0x1], $0x800, $0x38;
	[tilespmem:$0x19000] =	vst v63  }
0xa4: {  	s10 =	sadd.s32 $0x2000, s10;
	_ =	sdelay $0x1  }
0xa5: {  	_ =	swait.ge [sflag:s13], $0x800  }
0xa6: {  	[sflag:s13] =	ssyncset.done $0x0  }
0xa7: {  	[sflag:s13] =	ssyncadd.s32 $0xFFFFF800  }
0xa8: {  	s10 =	sadd.s32 $0x0, s11;
	[bflag:$0x0] =	sbarrier.arrive $0xFFFF  }
0xa9: {  	[tilespmem:s15], [sflag:$0x1] =	stream.linear.gather [hbm4b:s10+s4], $0x800, $0x38;
	[tilespmem:$0x19000] =	vst v63  }
0xaa: {  	_ =	swait.ge [sflag:s13], $0x800  }
0xab: {  	[sflag:s13] =	ssyncset.done $0x0  }
0xac: {  	[sflag:s13] =	ssyncadd.s32 $0xFFFFF800  }
0xad: {  	[spmem:s3] =	stream.indirect.scatter.add.f32 [tilespmem:s12], [sflag:$0x1], $0x80, s15, s16, $0xb8;
	[tilespmem:$0x19000] =	vst v63  }
0xae: {  	_ =	swait.ge [sflag:s13], $0x4000  }
0xaf: {  	[sflag:s13] =	ssyncset.done $0x0  }
0xb0: {  	[sflag:s13] =	ssyncadd.s32 $0xFFFFC000  }
0xb1: {  	[spmem:s3] =	stream.indirect.scatter.add.f32 [tilespmem:s12], [sflag:$0x1], $0x80, s17, s16, $0xb8;
	[tilespmem:$0x19000] =	vst v63  }
0xb2: {  	_ =	swait.ge [sflag:s13], $0x4000  }
0xb3: {  	[sflag:s13] =	ssyncset.done $0x0  }
0xb4: {  	[sflag:s13] =	ssyncadd.s32 $0xFFFFC000  }
0xb5: {  	[spmem:s3] =	stream.indirect.scatter.add.f32 [tilespmem:s12], [sflag:$0x1], $0x80, s18, s16, $0xb8;
	[tilespmem:$0x19000] =	vst v63  }
0xb6: {  	_ =	swait.ge [sflag:s13], $0x4000  }
0xb7: {  	[sflag:s13] =	ssyncset.done $0x0  }
0xb8: {  	[sflag:s13] =	ssyncadd.s32 $0xFFFFC000  }
0xb9: {  	[spmem:s3] =	stream.indirect.scatter.add.f32 [tilespmem:s12], [sflag:$0x1], $0x80, s19, s16, $0xb8;
	[tilespmem:$0x19000] =	vst v63  }
0xba: {  	_ =	swait.ge [sflag:s13], $0x4000  }
0xbb: {  	[sflag:s13] =	ssyncset.done $0x0  }
0xbc: {  	[sflag:s13] =	ssyncadd.s32 $0xFFFFC000  }
0xbd: {  	[spmem:s3] =	stream.indirect.scatter.add.f32 [tilespmem:s12], [sflag:$0x1], $0x80, s25, s16, $0xb8;
	[tilespmem:$0x19000] =	vst v63  }
0xbe: {  	_ =	swait.ge [sflag:s13], $0x4000  }
0xbf: {  	[sflag:s13] =	ssyncset.done $0x0  }
0xc0: {  	[sflag:s13] =	ssyncadd.s32 $0xFFFFC000  }
0xc1: {  	[spmem:s3] =	stream.indirect.scatter.add.f32 [tilespmem:s12], [sflag:$0x1], $0x80, s26, s16, $0xb8;
	[tilespmem:$0x19000] =	vst v63  }
0xc2: {  	_ =	swait.ge [sflag:s13], $0x4000  }
0xc3: {  	[sflag:s13] =	ssyncset.done $0x0  }
0xc4: {  	[sflag:s13] =	ssyncadd.s32 $0xFFFFC000  }
0xc5: {  	[spmem:s3] =	stream.indirect.scatter.add.f32 [tilespmem:s12], [sflag:$0x1], $0x80, s28, s16, $0xb8;
	[tilespmem:$0x19000] =	vst v63  }
0xc6: {  	_ =	swait.ge [sflag:s13], $0x4000  }
0xc7: {  	[sflag:s13] =	ssyncset.done $0x0  }
0xc8: {  	[sflag:s13] =	ssyncadd.s32 $0xFFFFC000  }
0xc9: {  	[spmem:s3] =	stream.indirect.scatter.add.f32 [tilespmem:s12], [sflag:$0x1], $0x80, s29, s16, $0xb8;
	[tilespmem:$0x19000] =	vst v63  }
0xca: {  	_ =	swait.ge [sflag:s13], $0x4000  }
0xcb: {  	[sflag:s13] =	ssyncset.done $0x0  }
0xcc: {  	[sflag:s13] =	ssyncadd.s32 $0xFFFFC000  }
0xcd: {  	[spmem:s3] =	stream.indirect.scatter.add.f32 [tilespmem:s12], [sflag:$0x1], $0x80, s30, s16, $0xb8;
	[tilespmem:$0x19000] =	vst v63  }
0xce: {  	_ =	swait.ge [sflag:s13], $0x4000  }
0xcf: {  	[sflag:s13] =	ssyncset.done $0x0  }
0xd0: {  	[sflag:s13] =	ssyncadd.s32 $0xFFFFC000  }
0xd1: {  	[spmem:s3] =	stream.indirect.scatter.add.f32 [tilespmem:s12], [sflag:$0x1], $0x80, s31, s16, $0xb8;
	[tilespmem:$0x19000] =	vst v63  }
0xd2: {  	_ =	swait.ge [sflag:s13], $0x4000  }
0xd3: {  	[sflag:s13] =	ssyncset.done $0x0  }
0xd4: {  	[sflag:s13] =	ssyncadd.s32 $0xFFFFC000  }
0xd5: {  	[spmem:s3] =	stream.indirect.scatter.add.f32 [tilespmem:s12], [sflag:$0x1], $0x80, s0, s16, $0xb8;
	[tilespmem:$0x19000] =	vst v63  }
0xd6: {  	_ =	swait.ge [sflag:s13], $0x4000  }
0xd7: {  	[sflag:s13] =	ssyncset.done $0x0  }
0xd8: {  	[sflag:s13] =	ssyncadd.s32 $0xFFFFC000  }
0xd9: {  	[spmem:s3] =	stream.indirect.scatter.add.f32 [tilespmem:s12], [sflag:$0x1], $0x80, s2, s16, $0xb8;
	[tilespmem:$0x19000] =	vst v63  }
0xda: {  	_ =	swait.ge [sflag:s13], $0x4000  }
0xdb: {  	[sflag:s13] =	ssyncset.done $0x0  }
0xdc: {  	[sflag:s13] =	ssyncadd.s32 $0xFFFFC000  }
0xdd: {  	[spmem:s3] =	stream.indirect.scatter.add.f32 [tilespmem:s12], [sflag:$0x1], $0x80, s1, s16, $0xb8;
	[tilespmem:$0x19000] =	vst v63  }
0xde: {  	_ =	swait.ge [sflag:s13], $0x4000  }
0xdf: {  	[sflag:s13] =	ssyncset.done $0x0  }
0xe0: {  	[sflag:s13] =	ssyncadd.s32 $0xFFFFC000  }
0xe1: {  	[spmem:s3] =	stream.indirect.scatter.add.f32 [tilespmem:s12], [sflag:$0x1], $0x80, s6, s16, $0xb8;
	[tilespmem:$0x19000] =	vst v63  }
0xe2: {  	_ =	swait.ge [sflag:s13], $0x4000  }
0xe3: {  	[sflag:s13] =	ssyncset.done $0x0  }
0xe4: {  	[sflag:s13] =	ssyncadd.s32 $0xFFFFC000  }
0xe5: {  	[spmem:s3] =	stream.indirect.scatter.add.f32 [tilespmem:s12], [sflag:$0x1], $0x80, s7, s16, $0xb8;
	[tilespmem:$0x19000] =	vst v63  }
0xe6: {  	_ =	swait.ge [sflag:s13], $0x4000  }
0xe7: {  	[sflag:s13] =	ssyncset.done $0x0  }
0xe8: {  	[sflag:s13] =	ssyncadd.s32 $0xFFFFC000  }
0xe9: {  	[spmem:s3] =	stream.indirect.scatter.add.f32 [tilespmem:s12], [sflag:$0x1], $0x80, s8, s16, $0xb8;
	[tilespmem:$0x19000] =	vst v63  }
0xea: {  	_ =	swait.ge [sflag:s13], $0x4000  }
0xeb: {  	s20 =	simm.s32 $0x200;
	s10 =	simm.s32 $0x100;
	[sflag:s13] =	ssyncset.done $0x0  }
.LBB2_4:
0xec: {  	s22 =	sadd.s32 s10, s11  }
0xed: {  	[sflag:s13] =	ssyncadd.s32 $0xFFFFC000;
	s10 =	smov.u32 s20;
	s21 =	sadd.s32 $0x100, s20  }
0xee: {  	[tilespmem:s15], [sflag:$0x1] =	stream.linear.gather [hbm4b:s22+s4], $0x800, $0x38;
	[tilespmem:$0x19000] =	vst v63  }
0xef: {  	p0 =	sne.s32 s20, $0x900;
	_ =	swait.ge [sflag:s13], $0x800  }
0xf0: {  	[sflag:s13] =	ssyncset.done $0x0  }
0xf1: {  	[sflag:s13] =	ssyncadd.s32 $0xFFFFF800  }
0xf2: {  	[spmem:s3] =	stream.indirect.scatter.add.f32 [tilespmem:s12], [sflag:$0x1], $0x80, s15, s16, $0xb8;
	[tilespmem:$0x19000] =	vst v63  }
0xf3: {  	_ =	swait.ge [sflag:s13], $0x4000  }
0xf4: {  	[sflag:s13] =	ssyncset.done $0x0  }
0xf5: {  	[sflag:s13] =	ssyncadd.s32 $0xFFFFC000  }
0xf6: {  	[spmem:s3] =	stream.indirect.scatter.add.f32 [tilespmem:s12], [sflag:$0x1], $0x80, s17, s16, $0xb8;
	[tilespmem:$0x19000] =	vst v63  }
0xf7: {  	_ =	swait.ge [sflag:s13], $0x4000  }
0xf8: {  	[sflag:s13] =	ssyncset.done $0x0  }
0xf9: {  	[sflag:s13] =	ssyncadd.s32 $0xFFFFC000  }
0xfa: {  	[spmem:s3] =	stream.indirect.scatter.add.f32 [tilespmem:s12], [sflag:$0x1], $0x80, s18, s16, $0xb8;
	[tilespmem:$0x19000] =	vst v63  }
0xfb: {  	_ =	swait.ge [sflag:s13], $0x4000  }
0xfc: {  	[sflag:s13] =	ssyncset.done $0x0  }
0xfd: {  	[sflag:s13] =	ssyncadd.s32 $0xFFFFC000  }
0xfe: {  	[spmem:s3] =	stream.indirect.scatter.add.f32 [tilespmem:s12], [sflag:$0x1], $0x80, s19, s16, $0xb8;
	[tilespmem:$0x19000] =	vst v63  }
0xff: {  	_ =	swait.ge [sflag:s13], $0x4000  }
0x100: {  	[sflag:s13] =	ssyncset.done $0x0  }
0x101: {  	[sflag:s13] =	ssyncadd.s32 $0xFFFFC000  }
0x102: {  	[spmem:s3] =	stream.indirect.scatter.add.f32 [tilespmem:s12], [sflag:$0x1], $0x80, s25, s16, $0xb8;
	[tilespmem:$0x19000] =	vst v63  }
0x103: {  	_ =	swait.ge [sflag:s13], $0x4000  }
0x104: {  	[sflag:s13] =	ssyncset.done $0x0  }
0x105: {  	[sflag:s13] =	ssyncadd.s32 $0xFFFFC000  }
0x106: {  	[spmem:s3] =	stream.indirect.scatter.add.f32 [tilespmem:s12], [sflag:$0x1], $0x80, s26, s16, $0xb8;
	[tilespmem:$0x19000] =	vst v63  }
0x107: {  	_ =	swait.ge [sflag:s13], $0x4000  }
0x108: {  	[sflag:s13] =	ssyncset.done $0x0  }
0x109: {  	[sflag:s13] =	ssyncadd.s32 $0xFFFFC000  }
0x10a: {  	[spmem:s3] =	stream.indirect.scatter.add.f32 [tilespmem:s12], [sflag:$0x1], $0x80, s28, s16, $0xb8;
	[tilespmem:$0x19000] =	vst v63  }
0x10b: {  	_ =	swait.ge [sflag:s13], $0x4000  }
0x10c: {  	[sflag:s13] =	ssyncset.done $0x0  }
0x10d: {  	[sflag:s13] =	ssyncadd.s32 $0xFFFFC000  }
0x10e: {  	[spmem:s3] =	stream.indirect.scatter.add.f32 [tilespmem:s12], [sflag:$0x1], $0x80, s29, s16, $0xb8;
	[tilespmem:$0x19000] =	vst v63  }
0x10f: {  	_ =	swait.ge [sflag:s13], $0x4000  }
0x110: {  	[sflag:s13] =	ssyncset.done $0x0  }
0x111: {  	[sflag:s13] =	ssyncadd.s32 $0xFFFFC000  }
0x112: {  	[spmem:s3] =	stream.indirect.scatter.add.f32 [tilespmem:s12], [sflag:$0x1], $0x80, s30, s16, $0xb8;
	[tilespmem:$0x19000] =	vst v63  }
0x113: {  	_ =	swait.ge [sflag:s13], $0x4000  }
0x114: {  	[sflag:s13] =	ssyncset.done $0x0  }
0x115: {  	[sflag:s13] =	ssyncadd.s32 $0xFFFFC000  }
0x116: {  	[spmem:s3] =	stream.indirect.scatter.add.f32 [tilespmem:s12], [sflag:$0x1], $0x80, s31, s16, $0xb8;
	[tilespmem:$0x19000] =	vst v63  }
0x117: {  	_ =	swait.ge [sflag:s13], $0x4000  }
0x118: {  	[sflag:s13] =	ssyncset.done $0x0  }
0x119: {  	[sflag:s13] =	ssyncadd.s32 $0xFFFFC000  }
0x11a: {  	[spmem:s3] =	stream.indirect.scatter.add.f32 [tilespmem:s12], [sflag:$0x1], $0x80, s0, s16, $0xb8;
	[tilespmem:$0x19000] =	vst v63  }
0x11b: {  	_ =	swait.ge [sflag:s13], $0x4000  }
0x11c: {  	[sflag:s13] =	ssyncset.done $0x0  }
0x11d: {  	[sflag:s13] =	ssyncadd.s32 $0xFFFFC000  }
0x11e: {  	[spmem:s3] =	stream.indirect.scatter.add.f32 [tilespmem:s12], [sflag:$0x1], $0x80, s2, s16, $0xb8;
	[tilespmem:$0x19000] =	vst v63  }
0x11f: {  	_ =	swait.ge [sflag:s13], $0x4000  }
0x120: {  	[sflag:s13] =	ssyncset.done $0x0  }
0x121: {  	[sflag:s13] =	ssyncadd.s32 $0xFFFFC000  }
0x122: {  	[spmem:s3] =	stream.indirect.scatter.add.f32 [tilespmem:s12], [sflag:$0x1], $0x80, s1, s16, $0xb8;
	[tilespmem:$0x19000] =	vst v63  }
0x123: {  	_ =	swait.ge [sflag:s13], $0x4000  }
0x124: {  	[sflag:s13] =	ssyncset.done $0x0  }
0x125: {  	[sflag:s13] =	ssyncadd.s32 $0xFFFFC000  }
0x126: {  	[spmem:s3] =	stream.indirect.scatter.add.f32 [tilespmem:s12], [sflag:$0x1], $0x80, s6, s16, $0xb8;
	[tilespmem:$0x19000] =	vst v63  }
0x127: {  	_ =	swait.ge [sflag:s13], $0x4000  }
0x128: {  	[sflag:s13] =	ssyncset.done $0x0  }
0x129: {  	[sflag:s13] =	ssyncadd.s32 $0xFFFFC000  }
0x12a: {  	[spmem:s3] =	stream.indirect.scatter.add.f32 [tilespmem:s12], [sflag:$0x1], $0x80, s7, s16, $0xb8;
	[tilespmem:$0x19000] =	vst v63  }
0x12b: {  	_ =	swait.ge [sflag:s13], $0x4000  }
.Ltmp1:
0x12c: {  	[sflag:s13] =	ssyncset.done $0x0;
	(pc) =	sbr.rel @p0 .LBB2_4-.Ltmp1, $4  }
0x12d: {  	[sflag:s13] =	ssyncadd.s32 $0xFFFFC000  }
0x12e: {  	[spmem:s3] =	stream.indirect.scatter.add.f32 [tilespmem:s12], [sflag:$0x1], $0x80, s8, s16, $0xb8;
	[tilespmem:$0x19000] =	vst v63  }
0x12f: {  	_ =	swait.ge [sflag:s13], $0x4000  }
0x130: {  	s20 =	smov.u32 s21;
	[sflag:s13] =	ssyncset.done $0x0  }
0x131: {  	s10 =	sadd.s32 s10, s11;
	[sflag:s13] =	ssyncadd.s32 $0xFFFFC000  }
0x132: {  	[tilespmem:s15], [sflag:$0x1] =	stream.linear.gather [hbm4b:s10+s4], $0x800, $0x38;
	[tilespmem:$0x19000] =	vst v63  }
0x133: {  	_ =	swait.ge [sflag:s13], $0x800  }
0x134: {  	[sflag:s13] =	ssyncset.done $0x0  }
0x135: {  	[sflag:s13] =	ssyncadd.s32 $0xFFFFF800  }
0x136: {  	[spmem:s3] =	stream.indirect.scatter.add.f32 [tilespmem:s12], [sflag:$0x1], $0x80, s15, s16, $0xb8;
	[tilespmem:$0x19000] =	vst v63  }
0x137: {  	_ =	swait.ge [sflag:s13], $0x4000  }
0x138: {  	[sflag:s13] =	ssyncset.done $0x0  }
0x139: {  	[sflag:s13] =	ssyncadd.s32 $0xFFFFC000  }
0x13a: {  	[spmem:s3] =	stream.indirect.scatter.add.f32 [tilespmem:s12], [sflag:$0x1], $0x80, s17, s16, $0xb8;
	[tilespmem:$0x19000] =	vst v63  }
0x13b: {  	_ =	swait.ge [sflag:s13], $0x4000  }
0x13c: {  	[sflag:s13] =	ssyncset.done $0x0  }
0x13d: {  	[sflag:s13] =	ssyncadd.s32 $0xFFFFC000  }
0x13e: {  	[spmem:s3] =	stream.indirect.scatter.add.f32 [tilespmem:s12], [sflag:$0x1], $0x80, s18, s16, $0xb8;
	[tilespmem:$0x19000] =	vst v63  }
0x13f: {  	_ =	swait.ge [sflag:s13], $0x4000  }
0x140: {  	[sflag:s13] =	ssyncset.done $0x0  }
0x141: {  	[sflag:s13] =	ssyncadd.s32 $0xFFFFC000  }
0x142: {  	[spmem:s3] =	stream.indirect.scatter.add.f32 [tilespmem:s12], [sflag:$0x1], $0x80, s19, s16, $0xb8;
	[tilespmem:$0x19000] =	vst v63  }
0x143: {  	_ =	swait.ge [sflag:s13], $0x4000  }
0x144: {  	[sflag:s13] =	ssyncset.done $0x0  }
0x145: {  	[sflag:s13] =	ssyncadd.s32 $0xFFFFC000  }
0x146: {  	[spmem:s3] =	stream.indirect.scatter.add.f32 [tilespmem:s12], [sflag:$0x1], $0x80, s25, s16, $0xb8;
	[tilespmem:$0x19000] =	vst v63  }
0x147: {  	_ =	swait.ge [sflag:s13], $0x4000  }
0x148: {  	[sflag:s13] =	ssyncset.done $0x0  }
0x149: {  	[sflag:s13] =	ssyncadd.s32 $0xFFFFC000  }
0x14a: {  	[spmem:s3] =	stream.indirect.scatter.add.f32 [tilespmem:s12], [sflag:$0x1], $0x80, s26, s16, $0xb8;
	[tilespmem:$0x19000] =	vst v63  }
0x14b: {  	_ =	swait.ge [sflag:s13], $0x4000  }
0x14c: {  	[sflag:s13] =	ssyncset.done $0x0  }
0x14d: {  	[sflag:s13] =	ssyncadd.s32 $0xFFFFC000  }
0x14e: {  	[spmem:s3] =	stream.indirect.scatter.add.f32 [tilespmem:s12], [sflag:$0x1], $0x80, s28, s16, $0xb8;
	[tilespmem:$0x19000] =	vst v63  }
0x14f: {  	_ =	swait.ge [sflag:s13], $0x4000  }
0x150: {  	[sflag:s13] =	ssyncset.done $0x0  }
0x151: {  	[sflag:s13] =	ssyncadd.s32 $0xFFFFC000  }
0x152: {  	[spmem:s3] =	stream.indirect.scatter.add.f32 [tilespmem:s12], [sflag:$0x1], $0x80, s29, s16, $0xb8;
	[tilespmem:$0x19000] =	vst v63  }
0x153: {  	_ =	swait.ge [sflag:s13], $0x4000  }
0x154: {  	[sflag:s13] =	ssyncset.done $0x0  }
0x155: {  	[sflag:s13] =	ssyncadd.s32 $0xFFFFC000  }
0x156: {  	[spmem:s3] =	stream.indirect.scatter.add.f32 [tilespmem:s12], [sflag:$0x1], $0x80, s30, s16, $0xb8;
	[tilespmem:$0x19000] =	vst v63  }
0x157: {  	_ =	swait.ge [sflag:s13], $0x4000  }
0x158: {  	[sflag:s13] =	ssyncset.done $0x0  }
0x159: {  	[sflag:s13] =	ssyncadd.s32 $0xFFFFC000  }
0x15a: {  	[spmem:s3] =	stream.indirect.scatter.add.f32 [tilespmem:s12], [sflag:$0x1], $0x80, s31, s16, $0xb8;
	[tilespmem:$0x19000] =	vst v63  }
0x15b: {  	_ =	swait.ge [sflag:s13], $0x4000  }
0x15c: {  	[sflag:s13] =	ssyncset.done $0x0  }
0x15d: {  	[sflag:s13] =	ssyncadd.s32 $0xFFFFC000  }
0x15e: {  	[spmem:s3] =	stream.indirect.scatter.add.f32 [tilespmem:s12], [sflag:$0x1], $0x80, s0, s16, $0xb8;
	[tilespmem:$0x19000] =	vst v63  }
0x15f: {  	_ =	swait.ge [sflag:s13], $0x4000  }
0x160: {  	[sflag:s13] =	ssyncset.done $0x0  }
0x161: {  	[sflag:s13] =	ssyncadd.s32 $0xFFFFC000  }
0x162: {  	[spmem:s3] =	stream.indirect.scatter.add.f32 [tilespmem:s12], [sflag:$0x1], $0x80, s2, s16, $0xb8;
	[tilespmem:$0x19000] =	vst v63  }
0x163: {  	_ =	swait.ge [sflag:s13], $0x4000  }
0x164: {  	[sflag:s13] =	ssyncset.done $0x0  }
0x165: {  	[sflag:s13] =	ssyncadd.s32 $0xFFFFC000  }
0x166: {  	[spmem:s3] =	stream.indirect.scatter.add.f32 [tilespmem:s12], [sflag:$0x1], $0x80, s1, s16, $0xb8;
	[tilespmem:$0x19000] =	vst v63  }
0x167: {  	_ =	swait.ge [sflag:s13], $0x4000  }
0x168: {  	[sflag:s13] =	ssyncset.done $0x0  }
0x169: {  	[sflag:s13] =	ssyncadd.s32 $0xFFFFC000  }
0x16a: {  	[spmem:s3] =	stream.indirect.scatter.add.f32 [tilespmem:s12], [sflag:$0x1], $0x80, s6, s16, $0xb8;
	[tilespmem:$0x19000] =	vst v63  }
0x16b: {  	_ =	swait.ge [sflag:s13], $0x4000  }
0x16c: {  	[sflag:s13] =	ssyncset.done $0x0  }
0x16d: {  	[sflag:s13] =	ssyncadd.s32 $0xFFFFC000  }
0x16e: {  	[spmem:s3] =	stream.indirect.scatter.add.f32 [tilespmem:s12], [sflag:$0x1], $0x80, s7, s16, $0xb8;
	[tilespmem:$0x19000] =	vst v63  }
0x16f: {  	_ =	swait.ge [sflag:s13], $0x4000  }
0x170: {  	[sflag:s13] =	ssyncset.done $0x0  }
0x171: {  	[sflag:s13] =	ssyncadd.s32 $0xFFFFC000  }
0x172: {  	[spmem:s3] =	stream.indirect.scatter.add.f32 [tilespmem:s12], [sflag:$0x1], $0x80, s8, s16, $0xb8;
	[tilespmem:$0x19000] =	vst v63  }
0x173: {  	_ =	swait.ge [sflag:s13], $0x4000  }
0x174: {  	[sflag:s13] =	ssyncset.done $0x0  }
0x175: {  	[sflag:s13] =	ssyncadd.s32 $0xFFFFC000  }
0x176: {  	[bflag:$0x0] =	sbarrier.arrive $0xFFFF  }
0x177: {  	[tilespmem:s12], [sflag:$0x1] =	stream.linear.gather [spmem:s5], $0x4000, $0x38;
	[tilespmem:$0x19000] =	vst v63  }
0x178: {  	_ =	swait.ge [sflag:s13], $0x4000  }
0x179: {  	[sflag:s13] =	ssyncset.done $0x0  }
0x17a: {  	s21 =	rddreg [dreg:$0xa];
	[sflag:s13] =	ssyncadd.s32 $0xFFFFC000  }
0x17b: {  	[hbm4b:s21+s4] =	stream.linear.scatter [tilespmem:s12], [sflag:$0x1], $0x4000, $0x38;
	[tilespmem:$0x19000] =	vst v63  }
0x17c: {  	_ =	swait.ge [sflag:s13], $0x4000  }
0x17d: {  	[sflag:s13] =	ssyncset.done $0x0  }
0x17e: {  	s22 =	rddreg [dreg:$0x6];
	[sflag:s13] =	ssyncadd.s32 $0xFFFFC000  }
0x17f: {  	[tilespmem:s12], [sflag:$0x1] =	stream.linear.gather [spmem:s22], $0x4000, $0x38;
	[tilespmem:$0x19000] =	vst v63  }
0x180: {  	_ =	swait.ge [sflag:s13], $0x4000  }
0x181: {  	[sflag:s13] =	ssyncset.done $0x0  }
0x182: {  	s20 =	rddreg [dreg:$0xb];
	[sflag:s13] =	ssyncadd.s32 $0xFFFFC000  }
0x183: {  	[hbm4b:s20+s4] =	stream.linear.scatter [tilespmem:s12], [sflag:$0x1], $0x4000, $0x38;
	[tilespmem:$0x19000] =	vst v63  }
0x184: {  	_ =	swait.ge [sflag:s13], $0x4000  }
0x185: {  	[sflag:s13] =	ssyncset.done $0x0  }
0x186: {  	s21 =	rddreg [dreg:$0x7];
	[sflag:s13] =	ssyncadd.s32 $0xFFFFC000  }
0x187: {  	[tilespmem:s12], [sflag:$0x1] =	stream.linear.gather [spmem:s21], $0x4000, $0x38;
	[tilespmem:$0x19000] =	vst v63  }
0x188: {  	_ =	swait.ge [sflag:s13], $0x4000  }
0x189: {  	[sflag:s13] =	ssyncset.done $0x0  }
0x18a: {  	s22 =	rddreg [dreg:$0xc];
	[sflag:s13] =	ssyncadd.s32 $0xFFFFC000  }
0x18b: {  	[hbm4b:s22+s4] =	stream.linear.scatter [tilespmem:s12], [sflag:$0x1], $0x4000, $0x38;
	[tilespmem:$0x19000] =	vst v63  }
0x18c: {  	_ =	swait.ge [sflag:s13], $0x4000  }
0x18d: {  	[sflag:s13] =	ssyncset.done $0x0  }
0x18e: {  	s20 =	rddreg [dreg:$0x8];
	[sflag:s13] =	ssyncadd.s32 $0xFFFFC000  }
0x18f: {  	[tilespmem:s12], [sflag:$0x1] =	stream.linear.gather [spmem:s20], $0x4000, $0x38;
	[tilespmem:$0x19000] =	vst v63  }
0x190: {  	_ =	swait.ge [sflag:s13], $0x4000  }
0x191: {  	[sflag:s13] =	ssyncset.done $0x0  }
0x192: {  	[sflag:s13] =	ssyncadd.s32 $0xFFFFC000  }
0x193: {  	[hbm4b:s23+s4] =	stream.linear.scatter [tilespmem:s12], [sflag:$0x1], $0x4000, $0x38;
	[tilespmem:$0x19000] =	vst v63  }
0x194: {  	_ =	swait.ge [sflag:s13], $0x4000  }
0x195: {  	[sflag:s13] =	ssyncset.done $0x0  }
0x196: {  	s21 =	rddreg [dreg:$0x9];
	[sflag:s13] =	ssyncadd.s32 $0xFFFFC000  }
0x197: {  	[tilespmem:s12], [sflag:$0x1] =	stream.linear.gather [spmem:s21], $0x4000, $0x38;
	[tilespmem:$0x19000] =	vst v63  }
0x198: {  	_ =	swait.ge [sflag:s13], $0x4000  }
0x199: {  	[sflag:s13] =	ssyncset.done $0x0  }
0x19a: {  	[sflag:s13] =	ssyncadd.s32 $0xFFFFC000  }
0x19b: {  	[hbm4b:s24+s4] =	stream.linear.scatter [tilespmem:s12], [sflag:$0x1], $0x4000, $0x38;
	[tilespmem:$0x19000] =	vst v63  }
0x19c: {  	_ =	swait.ge [sflag:s13], $0x4000  }
0x19d: {  	s9 =	sadd.s32 $0x1, s9;
	s22 =	rddreg [dreg:$0x5]  }
0x19e: {  	p0 =	sne.s32 s9, s22  }
.Ltmp2:
0x19f: {  	_ = 	snop;
	(pc) =	sbr.rel @p0 .LBB2_1-.Ltmp2, $3  }
0x1a0: {  	_ =	sdelay $0x1  }
0x1a1: {  	[sflag:s13] =	ssyncset.done $0x0  }
0x1a2: {  	[sflag:s13] =	ssyncadd.s32 $0xFFFFC000  }
0x1a3: {  	_ =	sfence.sel $0x180000  }
0x1a4: {  	[bflag:$0x0] =	sbarrier.arrive $0xFFFF  }
0x1a5: {  	_ =	strace $0x90000047  }
0x1a6: {  	s0 =	stileid.u32;
	[bflag:$0x2] =	sbarrier.arrive $0xFFFF  }
0x1a7: {  	p0 =	sne.s32 s0, $0x0;
	s0 =	rddreg [dreg:$0x4]  }
0x1a8: {  	s0 =	sadd.s32 @!p0 $0x100000, s0  }
0x1a9: {  	[sflag:s0] =	ssyncadd.tile.s32 @!p0 $0x1;
	_ =	shalt  }
.Lfunc_end2:
_tile_overlayer_lowered:
.L_overlay_start_2:
0x1aa: {  	(tag) =	ssettag $0x2  }
0x1ab: {  	s0 =	rddreg [dreg:$0x0];
	s2 =	stileid.u32  }
0x1ac: {  	s1 =	rddreg [dreg:$0x1];
	p0 =	sne.s32 s2, $0x0  }
0x1ad: {  	s3 =	rddreg [dreg:$0x2];
	[bflag:$0x3] =	sbarrier.arrive $0xFFFF;
	s2 =	simm.s32 @!p0 $0x1C01  }
0x1ae: {  	[timem:s3], [sflag:s2] =	dma.local @!p0 [hbm:s0], s1  }
0x1af: {  	s0 =	simm.s32 @!p0 $0x1  }
0x1b0: {  	_ =	swait.ge @!p0 [sflag:s0], s1  }
0x1b1: {  	s1 =	ssub.s32 @!p0 $0x0, s1;
	[sflag:s0] =	ssyncset.done @!p0 $0x0  }
0x1b2: {  	[sflag:s0] =	ssyncadd.s32 @!p0 s1  }
0x1b3: {  	[bflag:$0x3] =	sbarrier.arrive $0xFFFF  }
0x1b4: {  	_ =	shalt  }

</sc_bundles>
